<compile_context>
chip_gen: v7x
topology: tpu7x:2x2x1
jax: 0.10.2.dev20260603
libtpu: 0.0.44.dev20260713+nightly
codegen_flags: <defaults>
</compile_context>

<pallas_src>
import functools

import jax
import jax.numpy as jnp
from jax import lax
from jax.experimental import pallas as pl
from jax.experimental.pallas import tpu as pltpu
from jax.experimental.pallas import tpu_sc as plsc

N = 10000
DEG = 32
D = 128
G4 = 4 * D


_CHUNK = 128
_CPW = 80
_NW = 32
_NCHUNK = _CPW * _NW
_TOTALP = _NCHUNK * _CHUNK
_GRP = 2
_NGRP = _CPW // _GRP


def _make_sc_gather(dtype):
    info = plsc.get_sparse_core_info()
    nc, ns = info.num_cores, info.num_subcores
    assert nc * ns == _NW

    mesh = plsc.VectorSubcoreMesh(core_axis_name="c", subcore_axis_name="s")

    @functools.partial(
        pl.kernel,
        mesh=mesh,
        out_type=jax.ShapeDtypeStruct((_TOTALP, D), dtype),
        scratch_types=[
            pltpu.VMEM((_CPW * _CHUNK,), jnp.int32),
            pltpu.VMEM((2, _CHUNK, D), dtype),
            pltpu.SemaphoreType.DMA,
            pltpu.SemaphoreType.DMA,
            pltpu.SemaphoreType.DMA,
        ],
    )
    def gather_k(table_hbm, idx_hbm, out_hbm, idx_v, rows_v, gsem, wsem0,
                 wsem1):
        wid = lax.axis_index("s") * nc + lax.axis_index("c")
        wsems = (wsem0, wsem1)

        pltpu.sync_copy(idx_hbm.at[pl.ds(wid * _CPW * _CHUNK,
                                         _CPW * _CHUNK)], idx_v)

        def wb_copy(g, p):
            off = wid * _CPW * _CHUNK + g * _CHUNK
            return pltpu.make_async_copy(
                rows_v.at[p], out_hbm.at[pl.ds(off, _CHUNK)], wsems[p])

        def halfbody(G, p):
            g = 2 * G + p

            @pl.when(G > 0)
            def _():
                wb_copy(g - 2, p).wait()

            pltpu.async_copy(
                table_hbm.at[idx_v.at[pl.ds(g * _CHUNK, _CHUNK)]],
                rows_v.at[p], gsem).wait()
            wb_copy(g, p).start()

        def body(G, carry):
            halfbody(G, 0)
            halfbody(G, 1)
            return carry

        lax.fori_loop(0, _CPW // 2, body, 0)

        wb_copy(_CPW - 2, 0).wait()
        wb_copy(_CPW - 1, 1).wait()

    return gather_k


_sc_gather = None


def _sc_gather_call(table, idx_flat):
    global _sc_gather
    if _sc_gather is None:
        _sc_gather = _make_sc_gather(jnp.float32)
    return _sc_gather(table, idx_flat)



_BN = 2000


def _lstm_step(x, h, c, wihT_ref, whhT_ref, bias_ref):
    gates = (
        jnp.dot(x, wihT_ref[...], preferred_element_type=jnp.float32)
        + jnp.dot(h.astype(jnp.bfloat16), whhT_ref[...],
                  preferred_element_type=jnp.float32)
        + bias_ref[...]
    )
    ti = jnp.tanh(gates[:, 0:D])
    tf = jnp.tanh(gates[:, D:2 * D])
    gg = jnp.tanh(gates[:, 2 * D:3 * D])
    to = jnp.tanh(gates[:, 3 * D:4 * D])
    c = 0.5 * (tf * c + c + ti * gg + gg)
    tc = jnp.tanh(c)
    h = 0.5 * (to * tc + tc)
    return h, c


_UNROLL = 8


def _sage_body(*refs, apply_ln):
    fg_refs = refs[:_UNROLL]
    (feat_ref, wihT_ref, whhT_ref, bias_ref, wselfT_ref, wneighT_ref,
     bout_ref, gamma_ref, beta_ref, out_ref, h_ref, c_ref) = refs[_UNROLL:]
    t = pl.program_id(1)

    @pl.when(t == 0)
    def _init():
        h_ref[...] = jnp.zeros_like(h_ref)
        c_ref[...] = jnp.zeros_like(c_ref)

    h, c = h_ref[...], c_ref[...]
    for r in fg_refs:
        h, c = _lstm_step(r[...].astype(jnp.bfloat16), h, c,
                          wihT_ref, whhT_ref, bias_ref)
    c_ref[...] = c
    h_ref[...] = h

    @pl.when(t == DEG // _UNROLL - 1)
    def _final():
        out = (
            jnp.dot(feat_ref[...], wselfT_ref[...],
                    preferred_element_type=jnp.float32)
            + jnp.dot(h, wneighT_ref[...], preferred_element_type=jnp.float32)
            + bout_ref[...]
        )
        if apply_ln:
            mu = jnp.mean(out, axis=-1, keepdims=True)
            var = jnp.mean((out - mu) ** 2, axis=-1, keepdims=True)
            out = (out - mu) * lax.rsqrt(var + 1e-5) * gamma_ref[...] \
                + beta_ref[...]
            out = jnp.maximum(out, 0.0)
        out_ref[...] = out


def _sage_layer_tc(fg, feat, wihT, whhT, bias, wselfT, wneighT, bout,
                   gamma, beta, *, apply_ln, interpret=False):
    nb = N // _BN
    grid = (nb, DEG // _UNROLL)

    def fg_spec(j):
        return pl.BlockSpec(
            (_BN, D),
            lambda n, t: ((_UNROLL * t + j) * (N // _BN) + n, 0))

    return pl.pallas_call(
        functools.partial(_sage_body, apply_ln=apply_ln),
        grid=grid,
        in_specs=[
            *[fg_spec(j) for j in range(_UNROLL)],
            pl.BlockSpec((_BN, D), lambda n, t: (n, 0)),
            pl.BlockSpec((D, G4), lambda n, t: (0, 0)),
            pl.BlockSpec((D, G4), lambda n, t: (0, 0)),
            pl.BlockSpec((1, G4), lambda n, t: (0, 0)),
            pl.BlockSpec((D, D), lambda n, t: (0, 0)),
            pl.BlockSpec((D, D), lambda n, t: (0, 0)),
            pl.BlockSpec((1, D), lambda n, t: (0, 0)),
            pl.BlockSpec((1, D), lambda n, t: (0, 0)),
            pl.BlockSpec((1, D), lambda n, t: (0, 0)),
        ],
        out_specs=pl.BlockSpec((_BN, D), lambda n, t: (n, 0)),
        out_shape=jax.ShapeDtypeStruct((N, D), jnp.float32),
        scratch_shapes=[
            pltpu.VMEM((_BN, D), jnp.float32),
            pltpu.VMEM((_BN, D), jnp.float32),
        ],
        compiler_params=pltpu.CompilerParams(
            dimension_semantics=("arbitrary", "arbitrary"),
        ),
        interpret=interpret,
    )(*([fg] * _UNROLL), feat, wihT, whhT, bias, wselfT, wneighT, bout,
      gamma, beta)




def kernel(feat, neighbors, Wih0, Whh0, bih0, bhh0, Wself0, Wneigh0, b0,
           gamma0, beta0, Wih1, Whh1, bih1, bhh1, Wself1, Wneigh1, b1):
    idx_flat = neighbors.T.reshape(-1)
    idx_pad = jnp.concatenate(
        [idx_flat, jnp.arange(_TOTALP - DEG * N, dtype=jnp.int32)])

    gsc = jnp.concatenate([jnp.full((2 * D,), 0.5, jnp.float32),
                           jnp.ones((D,), jnp.float32),
                           jnp.full((D,), 0.5, jnp.float32)])

    def prep(Wih, Whh, bih, bhh, Wself, Wneigh, b):
        return ((Wih * gsc[:, None]).T.astype(jnp.bfloat16),
                (Whh * gsc[:, None]).T.astype(jnp.bfloat16),
                ((bih + bhh) * gsc).reshape(1, G4), Wself.T,
                Wneigh.T, b.reshape(1, D))

    w0 = prep(Wih0, Whh0, bih0, bhh0, Wself0, Wneigh0, b0)
    w1 = prep(Wih1, Whh1, bih1, bhh1, Wself1, Wneigh1, b1)
    g0 = gamma0.reshape(1, D)
    be0 = beta0.reshape(1, D)

    fg0 = _sc_gather_call(feat, idx_pad)
    h1 = _sage_layer_tc(fg0, feat, *w0, g0, be0, apply_ln=True)

    fg1 = _sc_gather_call(h1, idx_pad)
    out = _sage_layer_tc(fg1, h1, *w1, g0, be0, apply_ln=False)
    return out

# --- scband reference (transcript-rebuilt; emitter-appended) ---
"""Pipeline reference for scband-graph-sage-dgl-22565758173843 (READ-ONLY COPY).

The authoritative reference and input builder live on the scoring server;
editing this copy changes nothing except your own understanding.
"""

import jax, jax.numpy as jnp
import numpy as np

N = 10000
DEG = 32
D = 128


def _init_w(key, shape, scale=0.05):
    return (jax.random.normal(key, shape, dtype=jnp.float32) * scale)


def setup_inputs(seed: int = 0) -> dict:
    key = jax.random.key(seed)
    ks = jax.random.split(key, 24)
    inp = {}
    inp['feat'] = jax.random.normal(ks[0], (N, D), dtype=jnp.float32)
    inp['neighbors'] = jax.random.randint(ks[1], (N, DEG), 0, N, dtype=jnp.int32)
    # layer 0 SAGEConv (lstm aggregator) params
    inp['Wih0'] = _init_w(ks[2], (4 * D, D))
    inp['Whh0'] = _init_w(ks[3], (4 * D, D))
    inp['bih0'] = jnp.zeros((4 * D,), jnp.float32)
    inp['bhh0'] = jnp.zeros((4 * D,), jnp.float32)
    inp['Wself0'] = _init_w(ks[4], (D, D))
    inp['Wneigh0'] = _init_w(ks[5], (D, D))
    inp['b0'] = jnp.zeros((D,), jnp.float32)
    # layernorm between layers
    inp['gamma0'] = jnp.ones((D,), jnp.float32)
    inp['beta0'] = jnp.zeros((D,), jnp.float32)
    # layer 1 SAGEConv (lstm aggregator) params
    inp['Wih1'] = _init_w(ks[6], (4 * D, D))
    inp['Whh1'] = _init_w(ks[7], (4 * D, D))
    inp['bih1'] = jnp.zeros((4 * D,), jnp.float32)
    inp['bhh1'] = jnp.zeros((4 * D,), jnp.float32)
    inp['Wself1'] = _init_w(ks[8], (D, D))
    inp['Wneigh1'] = _init_w(ks[9], (D, D))
    inp['b1'] = jnp.zeros((D,), jnp.float32)
    return inp


def _lstm_agg(feat, neighbors, W_ih, W_hh, b_ih, b_hh):
    # gather neighbor features: [N, DEG, D]
    nbr = jnp.take(feat, neighbors, axis=0)
    xs = jnp.transpose(nbr, (1, 0, 2))  # [DEG, N, D]

    def step(carry, x):
        h, c = carry
        gates = x @ W_ih.T + b_ih + h @ W_hh.T + b_hh
        i, f, g, o = jnp.split(gates, 4, axis=-1)
        i = jax.nn.sigmoid(i)
        f = jax.nn.sigmoid(f)
        g = jnp.tanh(g)
        o = jax.nn.sigmoid(o)
        c = f * c + i * g
        h = o * jnp.tanh(c)
        return (h, c), None

    h0 = jnp.zeros((feat.shape[0], W_hh.shape[1]), feat.dtype)
    (h, _), _ = jax.lax.scan(step, (h0, h0), xs)
    return h  # final hidden state, as in DGL SAGEConv lstm aggregator


def _sage_layer(feat, neighbors, W_ih, W_hh, b_ih, b_hh, W_self, W_neigh, b):
    h_neigh = _lstm_agg(feat, neighbors, W_ih, W_hh, b_ih, b_hh)
    return feat @ W_self.T + h_neigh @ W_neigh.T + b


def _layernorm(x, gamma, beta, eps=1e-5):
    mu = jnp.mean(x, axis=-1, keepdims=True)
    var = jnp.var(x, axis=-1, keepdims=True)
    return (x - mu) / jnp.sqrt(var + eps) * gamma + beta


def reference(feat, neighbors, Wih0, Whh0, bih0, bhh0, Wself0, Wneigh0, b0,
              gamma0, beta0, Wih1, Whh1, bih1, bhh1, Wself1, Wneigh1, b1):
    # eval mode: dropout is identity, ctx.buffer update skipped
    h = _sage_layer(feat, neighbors, Wih0, Whh0, bih0, bhh0, Wself0, Wneigh0, b0)
    h = _layernorm(h, gamma0, beta0)
    h = jax.nn.relu(h)
    h = _sage_layer(h, neighbors, Wih1, Whh1, bih1, bhh1, Wself1, Wneigh1, b1)
    return h

if __name__ == "__main__":
    import jax
    _d = setup_inputs()
    print(jax.jit(kernel)(*tuple(_d.values())))

</pallas_src>

<mosaic_0001>
#map = affine_map<(d0, d1) -> (0, 0)>
#map1 = affine_map<(d0, d1) -> (0)>
module attributes {stable_mosaic.version = 14 : i64} {
  func.func @gather_k(%arg0: i32, %arg1: i32, %arg2: memref<10000x128xf32, #tpu.memory_space<hbm>>, %arg3: memref<327680xi32, #tpu.memory_space<hbm>>, %arg4: memref<327680x128xf32, #tpu.memory_space<hbm>>, %arg5: memref<10240xi32, #tpu.memory_space<vmem>>, %arg6: memref<2x128x128xf32, #tpu.memory_space<vmem>>, %arg7: memref<!tpu.dma_semaphore, #tpu.memory_space<semaphore_mem>>, %arg8: memref<!tpu.dma_semaphore, #tpu.memory_space<semaphore_mem>>, %arg9: memref<!tpu.dma_semaphore, #tpu.memory_space<semaphore_mem>>) attributes {dimension_semantics = [#tpu.dimension_semantics<core_parallel>, #tpu.dimension_semantics<subcore_parallel>], iteration_bounds = array<i64: 2, 16>, scalar_prefetch = 0 : i64, scratch_operands = 5 : i64, tpu.core_type = #tpu.core_type<sc_vector_subcore>, window_params = [{transform_indices = #map}, {transform_indices = #map1}, {transform_indices = #map}]} {
    %mul3A = arith.constant 2 : i32
    %mul3A_0 = arith.muli %arg1, %mul3A : i32
    %add3A = arith.addi %mul3A_0, %arg0 : i32
    %mul3A_1 = arith.constant 80 : i32
    %mul3A_2 = arith.muli %add3A, %mul3A_1 : i32
    %mul3A_3 = arith.constant 128 : i32
    %mul3A_4 = arith.muli %mul3A_2, %mul3A_3 : i32
    "tpu.region"() ({
      %run_scoped3A = tpu.sem_alloc : memref<!tpu.dma_semaphore, #tpu.memory_space<semaphore_mem>>
      %dma_start3A = tpu.memref_slice %arg3[%mul3A_4] : memref<327680xi32, #tpu.memory_space<hbm>> -> memref<10240xi32, #tpu.memory_space<hbm>>
      %dma_start3A_47 = tpu.memref_slice %arg3[%mul3A_4] : memref<327680xi32, #tpu.memory_space<hbm>> -> memref<10240xi32, #tpu.memory_space<hbm>>
      tpu.enqueue_dma source(%dma_start3A_47 : memref<10240xi32, #tpu.memory_space<hbm>>) target(%arg5 : memref<10240xi32, #tpu.memory_space<vmem>>) target_semaphore(%run_scoped3A : memref<!tpu.dma_semaphore, #tpu.memory_space<semaphore_mem>>)
      %dma_wait3A_48 = tpu.memref_slice %arg3[%mul3A_4] : memref<327680xi32, #tpu.memory_space<hbm>> -> memref<10240xi32, #tpu.memory_space<hbm>>
      %dma_wait3A_49 = tpu.memref_slice %arg3[%mul3A_4] : memref<327680xi32, #tpu.memory_space<hbm>> -> memref<10240xi32, #tpu.memory_space<hbm>>
      tpu.wait_dma2 semaphore(%run_scoped3A : memref<!tpu.dma_semaphore, #tpu.memory_space<semaphore_mem>>) src(%dma_wait3A_49 : memref<10240xi32, #tpu.memory_space<hbm>>) dst(%arg5 : memref<10240xi32, #tpu.memory_space<vmem>>)
      tpu.yield
    }) : () -> ()
    %scan3A = arith.constant 0 : i32
    %scan3A_5 = arith.constant 0 : i32
    %scan3A_6 = arith.constant 40 : i32
    %scan3A_7 = arith.addi %scan3A_5, %scan3A_6 : i32
    %scan3A_8 = arith.constant 1 : i32
    scf.for %scan3A_47 = %scan3A_5 to %scan3A_7 step %scan3A_8  : i32 {
      %mul3A_48 = arith.constant 2 : i32
      %mul3A_49 = arith.muli %mul3A_48, %scan3A_47 : i32
      %add3A_50 = arith.constant 0 : i32
      %add3A_51 = arith.addi %mul3A_49, %add3A_50 : i32
      %gt3A = arith.constant 0 : i32
      %gt3A_52 = arith.cmpi sgt, %scan3A_47, %gt3A : i32
      %convert_element_type3A = arith.extui %gt3A_52 : i1 to i32
      %cond3A = arith.constant 0 : i32
      %cond3A_53 = arith.cmpi ne, %convert_element_type3A, %cond3A : i32
      scf.if %cond3A_53 {
        %sub3A = arith.constant 2 : i32
        %sub3A_142 = arith.subi %add3A_51, %sub3A : i32
        %mul3A_143 = arith.constant 80 : i32
        %mul3A_144 = arith.muli %add3A, %mul3A_143 : i32
        %mul3A_145 = arith.constant 128 : i32
        %mul3A_146 = arith.muli %mul3A_144, %mul3A_145 : i32
        %mul3A_147 = arith.constant 128 : i32
        %mul3A_148 = arith.muli %sub3A_142, %mul3A_147 : i32
        %add3A_149 = arith.addi %mul3A_146, %mul3A_148 : i32
        %dma_wait3A_150 = arith.constant 0 : i32
        %dma_wait3A_151 = arith.constant 0 : i32
        %dma_wait3A_152 = arith.constant 0 : i32
        %dma_wait3A_153 = tpu.memref_slice %arg6[%dma_wait3A_150, %dma_wait3A_151, %dma_wait3A_152] : memref<2x128x128xf32, #tpu.memory_space<vmem>> -> memref<1x128x128xf32, #tpu.memory_space<vmem>>
        %dma_wait3A_154 = tpu.memref_squeeze %dma_wait3A_153 : memref<1x128x128xf32, #tpu.memory_space<vmem>> -> memref<128x128xf32, #tpu.memory_space<vmem>>
        %dma_wait3A_155 = arith.constant 0 : i32
        %dma_wait3A_156 = tpu.memref_slice %arg4[%add3A_149, %dma_wait3A_155] : memref<327680x128xf32, #tpu.memory_space<hbm>> -> memref<128x128xf32, #tpu.memory_space<hbm>>
        %dma_wait3A_157 = arith.constant 0 : i32
        %dma_wait3A_158 = tpu.memref_slice %arg4[%add3A_149, %dma_wait3A_157] : memref<327680x128xf32, #tpu.memory_space<hbm>> -> memref<128x128xf32, #tpu.memory_space<hbm>>
        %dma_wait3A_159 = arith.constant 0 : i32
        %dma_wait3A_160 = arith.constant 0 : i32
        %dma_wait3A_161 = tpu.memref_slice %arg6[%dma_wait3A_150, %dma_wait3A_159, %dma_wait3A_160] : memref<2x128x128xf32, #tpu.memory_space<vmem>> -> memref<1x128x128xf32, #tpu.memory_space<vmem>>
        %dma_wait3A_162 = tpu.memref_squeeze %dma_wait3A_161 : memref<1x128x128xf32, #tpu.memory_space<vmem>> -> memref<128x128xf32, #tpu.memory_space<vmem>>
        tpu.wait_dma2 semaphore(%arg8 : memref<!tpu.dma_semaphore, #tpu.memory_space<semaphore_mem>>) src(%dma_wait3A_162 : memref<128x128xf32, #tpu.memory_space<vmem>>) dst(%dma_wait3A_158 : memref<128x128xf32, #tpu.memory_space<hbm>>)
      } else {
      }
      %mul3A_54 = arith.constant 128 : i32
      %mul3A_55 = arith.muli %add3A_51, %mul3A_54 : i32
      %dma_start3A = arith.constant 0 : i32
      %dma_start3A_56 = arith.constant 0 : i32
      %dma_start3A_57 = arith.constant 0 : i32
      %dma_start3A_58 = tpu.memref_slice %arg6[%dma_start3A, %dma_start3A_56, %dma_start3A_57] : memref<2x128x128xf32, #tpu.memory_space<vmem>> -> memref<1x128x128xf32, #tpu.memory_space<vmem>>
      %dma_start3A_59 = tpu.memref_squeeze %dma_start3A_58 : memref<1x128x128xf32, #tpu.memory_space<vmem>> -> memref<128x128xf32, #tpu.memory_space<vmem>>
      %dma_start3A_60 = tpu.memref_slice %arg5[%mul3A_55] : memref<10240xi32, #tpu.memory_space<vmem>> -> memref<128xi32, #tpu.memory_space<vmem>>
      %dma_start3A_61 = arith.constant 0 : i32
      %dma_start3A_62 = arith.constant 0 : i32
      %dma_start3A_63 = tpu.memref_slice %arg2[%dma_start3A_61, %dma_start3A_62] : memref<10000x128xf32, #tpu.memory_space<hbm>> -> memref<10000x128xf32, #tpu.memory_space<hbm>>
      tpu.enqueue_indirect_dma source(%dma_start3A_63 : memref<10000x128xf32, #tpu.memory_space<hbm>>) target(%dma_start3A_59 : memref<128x128xf32, #tpu.memory_space<vmem>>) offsets(%dma_start3A_60 : memref<128xi32, #tpu.memory_space<vmem>>) semaphore(%arg7 : memref<!tpu.dma_semaphore, #tpu.memory_space<semaphore_mem>>)
      %dma_wait3A_64 = arith.constant 0 : i32
      %dma_wait3A_65 = arith.constant 0 : i32
      %dma_wait3A_66 = arith.constant 0 : i32
      %dma_wait3A_67 = tpu.memref_slice %arg6[%dma_wait3A_64, %dma_wait3A_65, %dma_wait3A_66] : memref<2x128x128xf32, #tpu.memory_space<vmem>> -> memref<1x128x128xf32, #tpu.memory_space<vmem>>
      %dma_wait3A_68 = tpu.memref_squeeze %dma_wait3A_67 : memref<1x128x128xf32, #tpu.memory_space<vmem>> -> memref<128x128xf32, #tpu.memory_space<vmem>>
      %dma_wait3A_69 = tpu.memref_slice %arg5[%mul3A_55] : memref<10240xi32, #tpu.memory_space<vmem>> -> memref<128xi32, #tpu.memory_space<vmem>>
      %dma_wait3A_70 = arith.constant 0 : i32
      %dma_wait3A_71 = arith.constant 0 : i32
      %dma_wait3A_72 = tpu.memref_slice %arg2[%dma_wait3A_70, %dma_wait3A_71] : memref<10000x128xf32, #tpu.memory_space<hbm>> -> memref<10000x128xf32, #tpu.memory_space<hbm>>
      tpu.wait_indirect_dma semaphore(%arg7 : memref<!tpu.dma_semaphore, #tpu.memory_space<semaphore_mem>>) src(%dma_wait3A_72 : memref<10000x128xf32, #tpu.memory_space<hbm>>) dst(%dma_wait3A_68 : memref<128x128xf32, #tpu.memory_space<vmem>>)
      %mul3A_73 = arith.constant 80 : i32
      %mul3A_74 = arith.muli %add3A, %mul3A_73 : i32
      %mul3A_75 = arith.constant 128 : i32
      %mul3A_76 = arith.muli %mul3A_74, %mul3A_75 : i32
      %mul3A_77 = arith.constant 128 : i32
      %mul3A_78 = arith.muli %add3A_51, %mul3A_77 : i32
      %add3A_79 = arith.addi %mul3A_76, %mul3A_78 : i32
      %dma_start3A_80 = arith.constant 0 : i32
      %dma_start3A_81 = arith.constant 0 : i32
      %dma_start3A_82 = arith.constant 0 : i32
      %dma_start3A_83 = tpu.memref_slice %arg6[%dma_start3A_80, %dma_start3A_81, %dma_start3A_82] : memref<2x128x128xf32, #tpu.memory_space<vmem>> -> memref<1x128x128xf32, #tpu.memory_space<vmem>>
      %dma_start3A_84 = tpu.memref_squeeze %dma_start3A_83 : memref<1x128x128xf32, #tpu.memory_space<vmem>> -> memref<128x128xf32, #tpu.memory_space<vmem>>
      %dma_start3A_85 = arith.constant 0 : i32
      %dma_start3A_86 = tpu.memref_slice %arg4[%add3A_79, %dma_start3A_85] : memref<327680x128xf32, #tpu.memory_space<hbm>> -> memref<128x128xf32, #tpu.memory_space<hbm>>
      %dma_start3A_87 = arith.constant 0 : i32
      %dma_start3A_88 = tpu.memref_slice %arg4[%add3A_79, %dma_start3A_87] : memref<327680x128xf32, #tpu.memory_space<hbm>> -> memref<128x128xf32, #tpu.memory_space<hbm>>
      %dma_start3A_89 = arith.constant 0 : i32
      %dma_start3A_90 = arith.constant 0 : i32
      %dma_start3A_91 = tpu.memref_slice %arg6[%dma_start3A_80, %dma_start3A_89, %dma_start3A_90] : memref<2x128x128xf32, #tpu.memory_space<vmem>> -> memref<1x128x128xf32, #tpu.memory_space<vmem>>
      %dma_start3A_92 = tpu.memref_squeeze %dma_start3A_91 : memref<1x128x128xf32, #tpu.memory_space<vmem>> -> memref<128x128xf32, #tpu.memory_space<vmem>>
      tpu.enqueue_dma source(%dma_start3A_92 : memref<128x128xf32, #tpu.memory_space<vmem>>) target(%dma_start3A_88 : memref<128x128xf32, #tpu.memory_space<hbm>>) target_semaphore(%arg8 : memref<!tpu.dma_semaphore, #tpu.memory_space<semaphore_mem>>)
      %mul3A_93 = arith.constant 2 : i32
      %mul3A_94 = arith.muli %mul3A_93, %scan3A_47 : i32
      %add3A_95 = arith.constant 1 : i32
      %add3A_96 = arith.addi %mul3A_94, %add3A_95 : i32
      %gt3A_97 = arith.constant 0 : i32
      %gt3A_98 = arith.cmpi sgt, %scan3A_47, %gt3A_97 : i32
      %convert_element_type3A_99 = arith.extui %gt3A_98 : i1 to i32
      %cond3A_100 = arith.constant 0 : i32
      %cond3A_101 = arith.cmpi ne, %convert_element_type3A_99, %cond3A_100 : i32
      scf.if %cond3A_101 {
        %sub3A = arith.constant 2 : i32
        %sub3A_142 = arith.subi %add3A_96, %sub3A : i32
        %mul3A_143 = arith.constant 80 : i32
        %mul3A_144 = arith.muli %add3A, %mul3A_143 : i32
        %mul3A_145 = arith.constant 128 : i32
        %mul3A_146 = arith.muli %mul3A_144, %mul3A_145 : i32
        %mul3A_147 = arith.constant 128 : i32
        %mul3A_148 = arith.muli %sub3A_142, %mul3A_147 : i32
        %add3A_149 = arith.addi %mul3A_146, %mul3A_148 : i32
        %dma_wait3A_150 = arith.constant 1 : i32
        %dma_wait3A_151 = arith.constant 0 : i32
        %dma_wait3A_152 = arith.constant 0 : i32
        %dma_wait3A_153 = tpu.memref_slice %arg6[%dma_wait3A_150, %dma_wait3A_151, %dma_wait3A_152] : memref<2x128x128xf32, #tpu.memory_space<vmem>> -> memref<1x128x128xf32, #tpu.memory_space<vmem>>
        %dma_wait3A_154 = tpu.memref_squeeze %dma_wait3A_153 : memref<1x128x128xf32, #tpu.memory_space<vmem>> -> memref<128x128xf32, #tpu.memory_space<vmem>>
        %dma_wait3A_155 = arith.constant 0 : i32
        %dma_wait3A_156 = tpu.memref_slice %arg4[%add3A_149, %dma_wait3A_155] : memref<327680x128xf32, #tpu.memory_space<hbm>> -> memref<128x128xf32, #tpu.memory_space<hbm>>
        %dma_wait3A_157 = arith.constant 0 : i32
        %dma_wait3A_158 = tpu.memref_slice %arg4[%add3A_149, %dma_wait3A_157] : memref<327680x128xf32, #tpu.memory_space<hbm>> -> memref<128x128xf32, #tpu.memory_space<hbm>>
        %dma_wait3A_159 = arith.constant 0 : i32
        %dma_wait3A_160 = arith.constant 0 : i32
        %dma_wait3A_161 = tpu.memref_slice %arg6[%dma_wait3A_150, %dma_wait3A_159, %dma_wait3A_160] : memref<2x128x128xf32, #tpu.memory_space<vmem>> -> memref<1x128x128xf32, #tpu.memory_space<vmem>>
        %dma_wait3A_162 = tpu.memref_squeeze %dma_wait3A_161 : memref<1x128x128xf32, #tpu.memory_space<vmem>> -> memref<128x128xf32, #tpu.memory_space<vmem>>
        tpu.wait_dma2 semaphore(%arg9 : memref<!tpu.dma_semaphore, #tpu.memory_space<semaphore_mem>>) src(%dma_wait3A_162 : memref<128x128xf32, #tpu.memory_space<vmem>>) dst(%dma_wait3A_158 : memref<128x128xf32, #tpu.memory_space<hbm>>)
      } else {
      }
      %mul3A_102 = arith.constant 128 : i32
      %mul3A_103 = arith.muli %add3A_96, %mul3A_102 : i32
      %dma_start3A_104 = arith.constant 1 : i32
      %dma_start3A_105 = arith.constant 0 : i32
      %dma_start3A_106 = arith.constant 0 : i32
      %dma_start3A_107 = tpu.memref_slice %arg6[%dma_start3A_104, %dma_start3A_105, %dma_start3A_106] : memref<2x128x128xf32, #tpu.memory_space<vmem>> -> memref<1x128x128xf32, #tpu.memory_space<vmem>>
      %dma_start3A_108 = tpu.memref_squeeze %dma_start3A_107 : memref<1x128x128xf32, #tpu.memory_space<vmem>> -> memref<128x128xf32, #tpu.memory_space<vmem>>
      %dma_start3A_109 = tpu.memref_slice %arg5[%mul3A_103] : memref<10240xi32, #tpu.memory_space<vmem>> -> memref<128xi32, #tpu.memory_space<vmem>>
      %dma_start3A_110 = arith.constant 0 : i32
      %dma_start3A_111 = arith.constant 0 : i32
      %dma_start3A_112 = tpu.memref_slice %arg2[%dma_start3A_110, %dma_start3A_111] : memref<10000x128xf32, #tpu.memory_space<hbm>> -> memref<10000x128xf32, #tpu.memory_space<hbm>>
      tpu.enqueue_indirect_dma source(%dma_start3A_112 : memref<10000x128xf32, #tpu.memory_space<hbm>>) target(%dma_start3A_108 : memref<128x128xf32, #tpu.memory_space<vmem>>) offsets(%dma_start3A_109 : memref<128xi32, #tpu.memory_space<vmem>>) semaphore(%arg7 : memref<!tpu.dma_semaphore, #tpu.memory_space<semaphore_mem>>)
      %dma_wait3A_113 = arith.constant 1 : i32
      %dma_wait3A_114 = arith.constant 0 : i32
      %dma_wait3A_115 = arith.constant 0 : i32
      %dma_wait3A_116 = tpu.memref_slice %arg6[%dma_wait3A_113, %dma_wait3A_114, %dma_wait3A_115] : memref<2x128x128xf32, #tpu.memory_space<vmem>> -> memref<1x128x128xf32, #tpu.memory_space<vmem>>
      %dma_wait3A_117 = tpu.memref_squeeze %dma_wait3A_116 : memref<1x128x128xf32, #tpu.memory_space<vmem>> -> memref<128x128xf32, #tpu.memory_space<vmem>>
      %dma_wait3A_118 = tpu.memref_slice %arg5[%mul3A_103] : memref<10240xi32, #tpu.memory_space<vmem>> -> memref<128xi32, #tpu.memory_space<vmem>>
      %dma_wait3A_119 = arith.constant 0 : i32
      %dma_wait3A_120 = arith.constant 0 : i32
      %dma_wait3A_121 = tpu.memref_slice %arg2[%dma_wait3A_119, %dma_wait3A_120] : memref<10000x128xf32, #tpu.memory_space<hbm>> -> memref<10000x128xf32, #tpu.memory_space<hbm>>
      tpu.wait_indirect_dma semaphore(%arg7 : memref<!tpu.dma_semaphore, #tpu.memory_space<semaphore_mem>>) src(%dma_wait3A_121 : memref<10000x128xf32, #tpu.memory_space<hbm>>) dst(%dma_wait3A_117 : memref<128x128xf32, #tpu.memory_space<vmem>>)
      %mul3A_122 = arith.constant 80 : i32
      %mul3A_123 = arith.muli %add3A, %mul3A_122 : i32
      %mul3A_124 = arith.constant 128 : i32
      %mul3A_125 = arith.muli %mul3A_123, %mul3A_124 : i32
      %mul3A_126 = arith.constant 128 : i32
      %mul3A_127 = arith.muli %add3A_96, %mul3A_126 : i32
      %add3A_128 = arith.addi %mul3A_125, %mul3A_127 : i32
      %dma_start3A_129 = arith.constant 1 : i32
      %dma_start3A_130 = arith.constant 0 : i32
      %dma_start3A_131 = arith.constant 0 : i32
      %dma_start3A_132 = tpu.memref_slice %arg6[%dma_start3A_129, %dma_start3A_130, %dma_start3A_131] : memref<2x128x128xf32, #tpu.memory_space<vmem>> -> memref<1x128x128xf32, #tpu.memory_space<vmem>>
      %dma_start3A_133 = tpu.memref_squeeze %dma_start3A_132 : memref<1x128x128xf32, #tpu.memory_space<vmem>> -> memref<128x128xf32, #tpu.memory_space<vmem>>
      %dma_start3A_134 = arith.constant 0 : i32
      %dma_start3A_135 = tpu.memref_slice %arg4[%add3A_128, %dma_start3A_134] : memref<327680x128xf32, #tpu.memory_space<hbm>> -> memref<128x128xf32, #tpu.memory_space<hbm>>
      %dma_start3A_136 = arith.constant 0 : i32
      %dma_start3A_137 = tpu.memref_slice %arg4[%add3A_128, %dma_start3A_136] : memref<327680x128xf32, #tpu.memory_space<hbm>> -> memref<128x128xf32, #tpu.memory_space<hbm>>
      %dma_start3A_138 = arith.constant 0 : i32
      %dma_start3A_139 = arith.constant 0 : i32
      %dma_start3A_140 = tpu.memref_slice %arg6[%dma_start3A_129, %dma_start3A_138, %dma_start3A_139] : memref<2x128x128xf32, #tpu.memory_space<vmem>> -> memref<1x128x128xf32, #tpu.memory_space<vmem>>
      %dma_start3A_141 = tpu.memref_squeeze %dma_start3A_140 : memref<1x128x128xf32, #tpu.memory_space<vmem>> -> memref<128x128xf32, #tpu.memory_space<vmem>>
      tpu.enqueue_dma source(%dma_start3A_141 : memref<128x128xf32, #tpu.memory_space<vmem>>) target(%dma_start3A_137 : memref<128x128xf32, #tpu.memory_space<hbm>>) target_semaphore(%arg9 : memref<!tpu.dma_semaphore, #tpu.memory_space<semaphore_mem>>)
    }
    %scan3A_9 = arith.constant 40 : i32
    %mul3A_10 = arith.constant 80 : i32
    %mul3A_11 = arith.muli %add3A, %mul3A_10 : i32
    %mul3A_12 = arith.constant 128 : i32
    %mul3A_13 = arith.muli %mul3A_11, %mul3A_12 : i32
    %add3A_14 = arith.constant 9984 : i32
    %add3A_15 = arith.addi %mul3A_13, %add3A_14 : i32
    %dma_wait3A = arith.constant 0 : i32
    %dma_wait3A_16 = arith.constant 0 : i32
    %dma_wait3A_17 = arith.constant 0 : i32
    %dma_wait3A_18 = tpu.memref_slice %arg6[%dma_wait3A, %dma_wait3A_16, %dma_wait3A_17] : memref<2x128x128xf32, #tpu.memory_space<vmem>> -> memref<1x128x128xf32, #tpu.memory_space<vmem>>
    %dma_wait3A_19 = tpu.memref_squeeze %dma_wait3A_18 : memref<1x128x128xf32, #tpu.memory_space<vmem>> -> memref<128x128xf32, #tpu.memory_space<vmem>>
    %dma_wait3A_20 = arith.constant 0 : i32
    %dma_wait3A_21 = tpu.memref_slice %arg4[%add3A_15, %dma_wait3A_20] : memref<327680x128xf32, #tpu.memory_space<hbm>> -> memref<128x128xf32, #tpu.memory_space<hbm>>
    %dma_wait3A_22 = arith.constant 0 : i32
    %dma_wait3A_23 = tpu.memref_slice %arg4[%add3A_15, %dma_wait3A_22] : memref<327680x128xf32, #tpu.memory_space<hbm>> -> memref<128x128xf32, #tpu.memory_space<hbm>>
    %dma_wait3A_24 = arith.constant 0 : i32
    %dma_wait3A_25 = arith.constant 0 : i32
    %dma_wait3A_26 = tpu.memref_slice %arg6[%dma_wait3A, %dma_wait3A_24, %dma_wait3A_25] : memref<2x128x128xf32, #tpu.memory_space<vmem>> -> memref<1x128x128xf32, #tpu.memory_space<vmem>>
    %dma_wait3A_27 = tpu.memref_squeeze %dma_wait3A_26 : memref<1x128x128xf32, #tpu.memory_space<vmem>> -> memref<128x128xf32, #tpu.memory_space<vmem>>
    tpu.wait_dma2 semaphore(%arg8 : memref<!tpu.dma_semaphore, #tpu.memory_space<semaphore_mem>>) src(%dma_wait3A_27 : memref<128x128xf32, #tpu.memory_space<vmem>>) dst(%dma_wait3A_23 : memref<128x128xf32, #tpu.memory_space<hbm>>)
    %mul3A_28 = arith.constant 80 : i32
    %mul3A_29 = arith.muli %add3A, %mul3A_28 : i32
    %mul3A_30 = arith.constant 128 : i32
    %mul3A_31 = arith.muli %mul3A_29, %mul3A_30 : i32
    %add3A_32 = arith.constant 10112 : i32
    %add3A_33 = arith.addi %mul3A_31, %add3A_32 : i32
    %dma_wait3A_34 = arith.constant 1 : i32
    %dma_wait3A_35 = arith.constant 0 : i32
    %dma_wait3A_36 = arith.constant 0 : i32
    %dma_wait3A_37 = tpu.memref_slice %arg6[%dma_wait3A_34, %dma_wait3A_35, %dma_wait3A_36] : memref<2x128x128xf32, #tpu.memory_space<vmem>> -> memref<1x128x128xf32, #tpu.memory_space<vmem>>
    %dma_wait3A_38 = tpu.memref_squeeze %dma_wait3A_37 : memref<1x128x128xf32, #tpu.memory_space<vmem>> -> memref<128x128xf32, #tpu.memory_space<vmem>>
    %dma_wait3A_39 = arith.constant 0 : i32
    %dma_wait3A_40 = tpu.memref_slice %arg4[%add3A_33, %dma_wait3A_39] : memref<327680x128xf32, #tpu.memory_space<hbm>> -> memref<128x128xf32, #tpu.memory_space<hbm>>
    %dma_wait3A_41 = arith.constant 0 : i32
    %dma_wait3A_42 = tpu.memref_slice %arg4[%add3A_33, %dma_wait3A_41] : memref<327680x128xf32, #tpu.memory_space<hbm>> -> memref<128x128xf32, #tpu.memory_space<hbm>>
    %dma_wait3A_43 = arith.constant 0 : i32
    %dma_wait3A_44 = arith.constant 0 : i32
    %dma_wait3A_45 = tpu.memref_slice %arg6[%dma_wait3A_34, %dma_wait3A_43, %dma_wait3A_44] : memref<2x128x128xf32, #tpu.memory_space<vmem>> -> memref<1x128x128xf32, #tpu.memory_space<vmem>>
    %dma_wait3A_46 = tpu.memref_squeeze %dma_wait3A_45 : memref<1x128x128xf32, #tpu.memory_space<vmem>> -> memref<128x128xf32, #tpu.memory_space<vmem>>
    tpu.wait_dma2 semaphore(%arg9 : memref<!tpu.dma_semaphore, #tpu.memory_space<semaphore_mem>>) src(%dma_wait3A_46 : memref<128x128xf32, #tpu.memory_space<vmem>>) dst(%dma_wait3A_42 : memref<128x128xf32, #tpu.memory_space<hbm>>)
    return
  }
}

#map = affine_map<(d0, d1) -> (0, 0)>
#map1 = affine_map<(d0, d1) -> (0)>
module attributes {stable_mosaic.version = 14 : i64} {
  func.func @gather_k(%arg0: i32, %arg1: i32, %arg2: memref<10000x128xf32, #tpu.memory_space<hbm>>, %arg3: memref<327680xi32, #tpu.memory_space<hbm>>, %arg4: memref<327680x128xf32, #tpu.memory_space<hbm>>, %arg5: memref<10240xi32, #tpu.memory_space<vmem>>, %arg6: memref<2x128x128xf32, #tpu.memory_space<vmem>>, %arg7: memref<!tpu.dma_semaphore, #tpu.memory_space<semaphore_mem>>, %arg8: memref<!tpu.dma_semaphore, #tpu.memory_space<semaphore_mem>>, %arg9: memref<!tpu.dma_semaphore, #tpu.memory_space<semaphore_mem>>) attributes {dimension_semantics = [#tpu.dimension_semantics<core_parallel>, #tpu.dimension_semantics<subcore_parallel>], iteration_bounds = array<i64: 2, 16>, scalar_prefetch = 0 : i64, scratch_operands = 5 : i64, tpu.core_type = #tpu.core_type<sc_vector_subcore>, window_params = [{transform_indices = #map}, {transform_indices = #map1}, {transform_indices = #map}]} {
    %mul3A = arith.constant 2 : i32
    %mul3A_0 = arith.muli %arg1, %mul3A : i32
    %add3A = arith.addi %mul3A_0, %arg0 : i32
    %mul3A_1 = arith.constant 80 : i32
    %mul3A_2 = arith.muli %add3A, %mul3A_1 : i32
    %mul3A_3 = arith.constant 128 : i32
    %mul3A_4 = arith.muli %mul3A_2, %mul3A_3 : i32
    "tpu.region"() ({
      %run_scoped3A = tpu.sem_alloc : memref<!tpu.dma_semaphore, #tpu.memory_space<semaphore_mem>>
      %dma_start3A = tpu.memref_slice %arg3[%mul3A_4] : memref<327680xi32, #tpu.memory_space<hbm>> -> memref<10240xi32, #tpu.memory_space<hbm>>
      %dma_start3A_47 = tpu.memref_slice %arg3[%mul3A_4] : memref<327680xi32, #tpu.memory_space<hbm>> -> memref<10240xi32, #tpu.memory_space<hbm>>
      tpu.enqueue_dma source(%dma_start3A_47 : memref<10240xi32, #tpu.memory_space<hbm>>) target(%arg5 : memref<10240xi32, #tpu.memory_space<vmem>>) target_semaphore(%run_scoped3A : memref<!tpu.dma_semaphore, #tpu.memory_space<semaphore_mem>>)
      %dma_wait3A_48 = tpu.memref_slice %arg3[%mul3A_4] : memref<327680xi32, #tpu.memory_space<hbm>> -> memref<10240xi32, #tpu.memory_space<hbm>>
      %dma_wait3A_49 = tpu.memref_slice %arg3[%mul3A_4] : memref<327680xi32, #tpu.memory_space<hbm>> -> memref<10240xi32, #tpu.memory_space<hbm>>
      tpu.wait_dma2 semaphore(%run_scoped3A : memref<!tpu.dma_semaphore, #tpu.memory_space<semaphore_mem>>) src(%dma_wait3A_49 : memref<10240xi32, #tpu.memory_space<hbm>>) dst(%arg5 : memref<10240xi32, #tpu.memory_space<vmem>>)
      tpu.yield
    }) : () -> ()
    %scan3A = arith.constant 0 : i32
    %scan3A_5 = arith.constant 0 : i32
    %scan3A_6 = arith.constant 40 : i32
    %scan3A_7 = arith.addi %scan3A_5, %scan3A_6 : i32
    %scan3A_8 = arith.constant 1 : i32
    scf.for %scan3A_47 = %scan3A_5 to %scan3A_7 step %scan3A_8  : i32 {
      %mul3A_48 = arith.constant 2 : i32
      %mul3A_49 = arith.muli %mul3A_48, %scan3A_47 : i32
      %add3A_50 = arith.constant 0 : i32
      %add3A_51 = arith.addi %mul3A_49, %add3A_50 : i32
      %gt3A = arith.constant 0 : i32
      %gt3A_52 = arith.cmpi sgt, %scan3A_47, %gt3A : i32
      %convert_element_type3A = arith.extui %gt3A_52 : i1 to i32
      %cond3A = arith.constant 0 : i32
      %cond3A_53 = arith.cmpi ne, %convert_element_type3A, %cond3A : i32
      scf.if %cond3A_53 {
        %sub3A = arith.constant 2 : i32
        %sub3A_142 = arith.subi %add3A_51, %sub3A : i32
        %mul3A_143 = arith.constant 80 : i32
        %mul3A_144 = arith.muli %add3A, %mul3A_143 : i32
        %mul3A_145 = arith.constant 128 : i32
        %mul3A_146 = arith.muli %mul3A_144, %mul3A_145 : i32
        %mul3A_147 = arith.constant 128 : i32
        %mul3A_148 = arith.muli %sub3A_142, %mul3A_147 : i32
        %add3A_149 = arith.addi %mul3A_146, %mul3A_148 : i32
        %dma_wait3A_150 = arith.constant 0 : i32
        %dma_wait3A_151 = arith.constant 0 : i32
        %dma_wait3A_152 = arith.constant 0 : i32
        %dma_wait3A_153 = tpu.memref_slice %arg6[%dma_wait3A_150, %dma_wait3A_151, %dma_wait3A_152] : memref<2x128x128xf32, #tpu.memory_space<vmem>> -> memref<1x128x128xf32, #tpu.memory_space<vmem>>
        %dma_wait3A_154 = tpu.memref_squeeze %dma_wait3A_153 : memref<1x128x128xf32, #tpu.memory_space<vmem>> -> memref<128x128xf32, #tpu.memory_space<vmem>>
        %dma_wait3A_155 = arith.constant 0 : i32
        %dma_wait3A_156 = tpu.memref_slice %arg4[%add3A_149, %dma_wait3A_155] : memref<327680x128xf32, #tpu.memory_space<hbm>> -> memref<128x128xf32, #tpu.memory_space<hbm>>
        %dma_wait3A_157 = arith.constant 0 : i32
        %dma_wait3A_158 = tpu.memref_slice %arg4[%add3A_149, %dma_wait3A_157] : memref<327680x128xf32, #tpu.memory_space<hbm>> -> memref<128x128xf32, #tpu.memory_space<hbm>>
        %dma_wait3A_159 = arith.constant 0 : i32
        %dma_wait3A_160 = arith.constant 0 : i32
        %dma_wait3A_161 = tpu.memref_slice %arg6[%dma_wait3A_150, %dma_wait3A_159, %dma_wait3A_160] : memref<2x128x128xf32, #tpu.memory_space<vmem>> -> memref<1x128x128xf32, #tpu.memory_space<vmem>>
        %dma_wait3A_162 = tpu.memref_squeeze %dma_wait3A_161 : memref<1x128x128xf32, #tpu.memory_space<vmem>> -> memref<128x128xf32, #tpu.memory_space<vmem>>
        tpu.wait_dma2 semaphore(%arg8 : memref<!tpu.dma_semaphore, #tpu.memory_space<semaphore_mem>>) src(%dma_wait3A_162 : memref<128x128xf32, #tpu.memory_space<vmem>>) dst(%dma_wait3A_158 : memref<128x128xf32, #tpu.memory_space<hbm>>)
      } else {
      }
      %mul3A_54 = arith.constant 128 : i32
      %mul3A_55 = arith.muli %add3A_51, %mul3A_54 : i32
      %dma_start3A = arith.constant 0 : i32
      %dma_start3A_56 = arith.constant 0 : i32
      %dma_start3A_57 = arith.constant 0 : i32
      %dma_start3A_58 = tpu.memref_slice %arg6[%dma_start3A, %dma_start3A_56, %dma_start3A_57] : memref<2x128x128xf32, #tpu.memory_space<vmem>> -> memref<1x128x128xf32, #tpu.memory_space<vmem>>
      %dma_start3A_59 = tpu.memref_squeeze %dma_start3A_58 : memref<1x128x128xf32, #tpu.memory_space<vmem>> -> memref<128x128xf32, #tpu.memory_space<vmem>>
      %dma_start3A_60 = tpu.memref_slice %arg5[%mul3A_55] : memref<10240xi32, #tpu.memory_space<vmem>> -> memref<128xi32, #tpu.memory_space<vmem>>
      %dma_start3A_61 = arith.constant 0 : i32
      %dma_start3A_62 = arith.constant 0 : i32
      %dma_start3A_63 = tpu.memref_slice %arg2[%dma_start3A_61, %dma_start3A_62] : memref<10000x128xf32, #tpu.memory_space<hbm>> -> memref<10000x128xf32, #tpu.memory_space<hbm>>
      tpu.enqueue_indirect_dma source(%dma_start3A_63 : memref<10000x128xf32, #tpu.memory_space<hbm>>) target(%dma_start3A_59 : memref<128x128xf32, #tpu.memory_space<vmem>>) offsets(%dma_start3A_60 : memref<128xi32, #tpu.memory_space<vmem>>) semaphore(%arg7 : memref<!tpu.dma_semaphore, #tpu.memory_space<semaphore_mem>>)
      %dma_wait3A_64 = arith.constant 0 : i32
      %dma_wait3A_65 = arith.constant 0 : i32
      %dma_wait3A_66 = arith.constant 0 : i32
      %dma_wait3A_67 = tpu.memref_slice %arg6[%dma_wait3A_64, %dma_wait3A_65, %dma_wait3A_66] : memref<2x128x128xf32, #tpu.memory_space<vmem>> -> memref<1x128x128xf32, #tpu.memory_space<vmem>>
      %dma_wait3A_68 = tpu.memref_squeeze %dma_wait3A_67 : memref<1x128x128xf32, #tpu.memory_space<vmem>> -> memref<128x128xf32, #tpu.memory_space<vmem>>
      %dma_wait3A_69 = tpu.memref_slice %arg5[%mul3A_55] : memref<10240xi32, #tpu.memory_space<vmem>> -> memref<128xi32, #tpu.memory_space<vmem>>
      %dma_wait3A_70 = arith.constant 0 : i32
      %dma_wait3A_71 = arith.constant 0 : i32
      %dma_wait3A_72 = tpu.memref_slice %arg2[%dma_wait3A_70, %dma_wait3A_71] : memref<10000x128xf32, #tpu.memory_space<hbm>> -> memref<10000x128xf32, #tpu.memory_space<hbm>>
      tpu.wait_indirect_dma semaphore(%arg7 : memref<!tpu.dma_semaphore, #tpu.memory_space<semaphore_mem>>) src(%dma_wait3A_72 : memref<10000x128xf32, #tpu.memory_space<hbm>>) dst(%dma_wait3A_68 : memref<128x128xf32, #tpu.memory_space<vmem>>)
      %mul3A_73 = arith.constant 80 : i32
      %mul3A_74 = arith.muli %add3A, %mul3A_73 : i32
      %mul3A_75 = arith.constant 128 : i32
      %mul3A_76 = arith.muli %mul3A_74, %mul3A_75 : i32
      %mul3A_77 = arith.constant 128 : i32
      %mul3A_78 = arith.muli %add3A_51, %mul3A_77 : i32
      %add3A_79 = arith.addi %mul3A_76, %mul3A_78 : i32
      %dma_start3A_80 = arith.constant 0 : i32
      %dma_start3A_81 = arith.constant 0 : i32
      %dma_start3A_82 = arith.constant 0 : i32
      %dma_start3A_83 = tpu.memref_slice %arg6[%dma_start3A_80, %dma_start3A_81, %dma_start3A_82] : memref<2x128x128xf32, #tpu.memory_space<vmem>> -> memref<1x128x128xf32, #tpu.memory_space<vmem>>
      %dma_start3A_84 = tpu.memref_squeeze %dma_start3A_83 : memref<1x128x128xf32, #tpu.memory_space<vmem>> -> memref<128x128xf32, #tpu.memory_space<vmem>>
      %dma_start3A_85 = arith.constant 0 : i32
      %dma_start3A_86 = tpu.memref_slice %arg4[%add3A_79, %dma_start3A_85] : memref<327680x128xf32, #tpu.memory_space<hbm>> -> memref<128x128xf32, #tpu.memory_space<hbm>>
      %dma_start3A_87 = arith.constant 0 : i32
      %dma_start3A_88 = tpu.memref_slice %arg4[%add3A_79, %dma_start3A_87] : memref<327680x128xf32, #tpu.memory_space<hbm>> -> memref<128x128xf32, #tpu.memory_space<hbm>>
      %dma_start3A_89 = arith.constant 0 : i32
      %dma_start3A_90 = arith.constant 0 : i32
      %dma_start3A_91 = tpu.memref_slice %arg6[%dma_start3A_80, %dma_start3A_89, %dma_start3A_90] : memref<2x128x128xf32, #tpu.memory_space<vmem>> -> memref<1x128x128xf32, #tpu.memory_space<vmem>>
      %dma_start3A_92 = tpu.memref_squeeze %dma_start3A_91 : memref<1x128x128xf32, #tpu.memory_space<vmem>> -> memref<128x128xf32, #tpu.memory_space<vmem>>
      tpu.enqueue_dma source(%dma_start3A_92 : memref<128x128xf32, #tpu.memory_space<vmem>>) target(%dma_start3A_88 : memref<128x128xf32, #tpu.memory_space<hbm>>) target_semaphore(%arg8 : memref<!tpu.dma_semaphore, #tpu.memory_space<semaphore_mem>>)
      %mul3A_93 = arith.constant 2 : i32
      %mul3A_94 = arith.muli %mul3A_93, %scan3A_47 : i32
      %add3A_95 = arith.constant 1 : i32
      %add3A_96 = arith.addi %mul3A_94, %add3A_95 : i32
      %gt3A_97 = arith.constant 0 : i32
      %gt3A_98 = arith.cmpi sgt, %scan3A_47, %gt3A_97 : i32
      %convert_element_type3A_99 = arith.extui %gt3A_98 : i1 to i32
      %cond3A_100 = arith.constant 0 : i32
      %cond3A_101 = arith.cmpi ne, %convert_element_type3A_99, %cond3A_100 : i32
      scf.if %cond3A_101 {
        %sub3A = arith.constant 2 : i32
        %sub3A_142 = arith.subi %add3A_96, %sub3A : i32
        %mul3A_143 = arith.constant 80 : i32
        %mul3A_144 = arith.muli %add3A, %mul3A_143 : i32
        %mul3A_145 = arith.constant 128 : i32
        %mul3A_146 = arith.muli %mul3A_144, %mul3A_145 : i32
        %mul3A_147 = arith.constant 128 : i32
        %mul3A_148 = arith.muli %sub3A_142, %mul3A_147 : i32
        %add3A_149 = arith.addi %mul3A_146, %mul3A_148 : i32
        %dma_wait3A_150 = arith.constant 1 : i32
        %dma_wait3A_151 = arith.constant 0 : i32
        %dma_wait3A_152 = arith.constant 0 : i32
        %dma_wait3A_153 = tpu.memref_slice %arg6[%dma_wait3A_150, %dma_wait3A_151, %dma_wait3A_152] : memref<2x128x128xf32, #tpu.memory_space<vmem>> -> memref<1x128x128xf32, #tpu.memory_space<vmem>>
        %dma_wait3A_154 = tpu.memref_squeeze %dma_wait3A_153 : memref<1x128x128xf32, #tpu.memory_space<vmem>> -> memref<128x128xf32, #tpu.memory_space<vmem>>
        %dma_wait3A_155 = arith.constant 0 : i32
        %dma_wait3A_156 = tpu.memref_slice %arg4[%add3A_149, %dma_wait3A_155] : memref<327680x128xf32, #tpu.memory_space<hbm>> -> memref<128x128xf32, #tpu.memory_space<hbm>>
        %dma_wait3A_157 = arith.constant 0 : i32
        %dma_wait3A_158 = tpu.memref_slice %arg4[%add3A_149, %dma_wait3A_157] : memref<327680x128xf32, #tpu.memory_space<hbm>> -> memref<128x128xf32, #tpu.memory_space<hbm>>
        %dma_wait3A_159 = arith.constant 0 : i32
        %dma_wait3A_160 = arith.constant 0 : i32
        %dma_wait3A_161 = tpu.memref_slice %arg6[%dma_wait3A_150, %dma_wait3A_159, %dma_wait3A_160] : memref<2x128x128xf32, #tpu.memory_space<vmem>> -> memref<1x128x128xf32, #tpu.memory_space<vmem>>
        %dma_wait3A_162 = tpu.memref_squeeze %dma_wait3A_161 : memref<1x128x128xf32, #tpu.memory_space<vmem>> -> memref<128x128xf32, #tpu.memory_space<vmem>>
        tpu.wait_dma2 semaphore(%arg9 : memref<!tpu.dma_semaphore, #tpu.memory_space<semaphore_mem>>) src(%dma_wait3A_162 : memref<128x128xf32, #tpu.memory_space<vmem>>) dst(%dma_wait3A_158 : memref<128x128xf32, #tpu.memory_space<hbm>>)
      } else {
      }
      %mul3A_102 = arith.constant 128 : i32
      %mul3A_103 = arith.muli %add3A_96, %mul3A_102 : i32
      %dma_start3A_104 = arith.constant 1 : i32
      %dma_start3A_105 = arith.constant 0 : i32
      %dma_start3A_106 = arith.constant 0 : i32
      %dma_start3A_107 = tpu.memref_slice %arg6[%dma_start3A_104, %dma_start3A_105, %dma_start3A_106] : memref<2x128x128xf32, #tpu.memory_space<vmem>> -> memref<1x128x128xf32, #tpu.memory_space<vmem>>
      %dma_start3A_108 = tpu.memref_squeeze %dma_start3A_107 : memref<1x128x128xf32, #tpu.memory_space<vmem>> -> memref<128x128xf32, #tpu.memory_space<vmem>>
      %dma_start3A_109 = tpu.memref_slice %arg5[%mul3A_103] : memref<10240xi32, #tpu.memory_space<vmem>> -> memref<128xi32, #tpu.memory_space<vmem>>
      %dma_start3A_110 = arith.constant 0 : i32
      %dma_start3A_111 = arith.constant 0 : i32
      %dma_start3A_112 = tpu.memref_slice %arg2[%dma_start3A_110, %dma_start3A_111] : memref<10000x128xf32, #tpu.memory_space<hbm>> -> memref<10000x128xf32, #tpu.memory_space<hbm>>
      tpu.enqueue_indirect_dma source(%dma_start3A_112 : memref<10000x128xf32, #tpu.memory_space<hbm>>) target(%dma_start3A_108 : memref<128x128xf32, #tpu.memory_space<vmem>>) offsets(%dma_start3A_109 : memref<128xi32, #tpu.memory_space<vmem>>) semaphore(%arg7 : memref<!tpu.dma_semaphore, #tpu.memory_space<semaphore_mem>>)
      %dma_wait3A_113 = arith.constant 1 : i32
      %dma_wait3A_114 = arith.constant 0 : i32
      %dma_wait3A_115 = arith.constant 0 : i32
      %dma_wait3A_116 = tpu.memref_slice %arg6[%dma_wait3A_113, %dma_wait3A_114, %dma_wait3A_115] : memref<2x128x128xf32, #tpu.memory_space<vmem>> -> memref<1x128x128xf32, #tpu.memory_space<vmem>>
      %dma_wait3A_117 = tpu.memref_squeeze %dma_wait3A_116 : memref<1x128x128xf32, #tpu.memory_space<vmem>> -> memref<128x128xf32, #tpu.memory_space<vmem>>
      %dma_wait3A_118 = tpu.memref_slice %arg5[%mul3A_103] : memref<10240xi32, #tpu.memory_space<vmem>> -> memref<128xi32, #tpu.memory_space<vmem>>
      %dma_wait3A_119 = arith.constant 0 : i32
      %dma_wait3A_120 = arith.constant 0 : i32
      %dma_wait3A_121 = tpu.memref_slice %arg2[%dma_wait3A_119, %dma_wait3A_120] : memref<10000x128xf32, #tpu.memory_space<hbm>> -> memref<10000x128xf32, #tpu.memory_space<hbm>>
      tpu.wait_indirect_dma semaphore(%arg7 : memref<!tpu.dma_semaphore, #tpu.memory_space<semaphore_mem>>) src(%dma_wait3A_121 : memref<10000x128xf32, #tpu.memory_space<hbm>>) dst(%dma_wait3A_117 : memref<128x128xf32, #tpu.memory_space<vmem>>)
      %mul3A_122 = arith.constant 80 : i32
      %mul3A_123 = arith.muli %add3A, %mul3A_122 : i32
      %mul3A_124 = arith.constant 128 : i32
      %mul3A_125 = arith.muli %mul3A_123, %mul3A_124 : i32
      %mul3A_126 = arith.constant 128 : i32
      %mul3A_127 = arith.muli %add3A_96, %mul3A_126 : i32
      %add3A_128 = arith.addi %mul3A_125, %mul3A_127 : i32
      %dma_start3A_129 = arith.constant 1 : i32
      %dma_start3A_130 = arith.constant 0 : i32
      %dma_start3A_131 = arith.constant 0 : i32
      %dma_start3A_132 = tpu.memref_slice %arg6[%dma_start3A_129, %dma_start3A_130, %dma_start3A_131] : memref<2x128x128xf32, #tpu.memory_space<vmem>> -> memref<1x128x128xf32, #tpu.memory_space<vmem>>
      %dma_start3A_133 = tpu.memref_squeeze %dma_start3A_132 : memref<1x128x128xf32, #tpu.memory_space<vmem>> -> memref<128x128xf32, #tpu.memory_space<vmem>>
      %dma_start3A_134 = arith.constant 0 : i32
      %dma_start3A_135 = tpu.memref_slice %arg4[%add3A_128, %dma_start3A_134] : memref<327680x128xf32, #tpu.memory_space<hbm>> -> memref<128x128xf32, #tpu.memory_space<hbm>>
      %dma_start3A_136 = arith.constant 0 : i32
      %dma_start3A_137 = tpu.memref_slice %arg4[%add3A_128, %dma_start3A_136] : memref<327680x128xf32, #tpu.memory_space<hbm>> -> memref<128x128xf32, #tpu.memory_space<hbm>>
      %dma_start3A_138 = arith.constant 0 : i32
      %dma_start3A_139 = arith.constant 0 : i32
      %dma_start3A_140 = tpu.memref_slice %arg6[%dma_start3A_129, %dma_start3A_138, %dma_start3A_139] : memref<2x128x128xf32, #tpu.memory_space<vmem>> -> memref<1x128x128xf32, #tpu.memory_space<vmem>>
      %dma_start3A_141 = tpu.memref_squeeze %dma_start3A_140 : memref<1x128x128xf32, #tpu.memory_space<vmem>> -> memref<128x128xf32, #tpu.memory_space<vmem>>
      tpu.enqueue_dma source(%dma_start3A_141 : memref<128x128xf32, #tpu.memory_space<vmem>>) target(%dma_start3A_137 : memref<128x128xf32, #tpu.memory_space<hbm>>) target_semaphore(%arg9 : memref<!tpu.dma_semaphore, #tpu.memory_space<semaphore_mem>>)
    }
    %scan3A_9 = arith.constant 40 : i32
    %mul3A_10 = arith.constant 80 : i32
    %mul3A_11 = arith.muli %add3A, %mul3A_10 : i32
    %mul3A_12 = arith.constant 128 : i32
    %mul3A_13 = arith.muli %mul3A_11, %mul3A_12 : i32
    %add3A_14 = arith.constant 9984 : i32
    %add3A_15 = arith.addi %mul3A_13, %add3A_14 : i32
    %dma_wait3A = arith.constant 0 : i32
    %dma_wait3A_16 = arith.constant 0 : i32
    %dma_wait3A_17 = arith.constant 0 : i32
    %dma_wait3A_18 = tpu.memref_slice %arg6[%dma_wait3A, %dma_wait3A_16, %dma_wait3A_17] : memref<2x128x128xf32, #tpu.memory_space<vmem>> -> memref<1x128x128xf32, #tpu.memory_space<vmem>>
    %dma_wait3A_19 = tpu.memref_squeeze %dma_wait3A_18 : memref<1x128x128xf32, #tpu.memory_space<vmem>> -> memref<128x128xf32, #tpu.memory_space<vmem>>
    %dma_wait3A_20 = arith.constant 0 : i32
    %dma_wait3A_21 = tpu.memref_slice %arg4[%add3A_15, %dma_wait3A_20] : memref<327680x128xf32, #tpu.memory_space<hbm>> -> memref<128x128xf32, #tpu.memory_space<hbm>>
    %dma_wait3A_22 = arith.constant 0 : i32
    %dma_wait3A_23 = tpu.memref_slice %arg4[%add3A_15, %dma_wait3A_22] : memref<327680x128xf32, #tpu.memory_space<hbm>> -> memref<128x128xf32, #tpu.memory_space<hbm>>
    %dma_wait3A_24 = arith.constant 0 : i32
    %dma_wait3A_25 = arith.constant 0 : i32
    %dma_wait3A_26 = tpu.memref_slice %arg6[%dma_wait3A, %dma_wait3A_24, %dma_wait3A_25] : memref<2x128x128xf32, #tpu.memory_space<vmem>> -> memref<1x128x128xf32, #tpu.memory_space<vmem>>
    %dma_wait3A_27 = tpu.memref_squeeze %dma_wait3A_26 : memref<1x128x128xf32, #tpu.memory_space<vmem>> -> memref<128x128xf32, #tpu.memory_space<vmem>>
    tpu.wait_dma2 semaphore(%arg8 : memref<!tpu.dma_semaphore, #tpu.memory_space<semaphore_mem>>) src(%dma_wait3A_27 : memref<128x128xf32, #tpu.memory_space<vmem>>) dst(%dma_wait3A_23 : memref<128x128xf32, #tpu.memory_space<hbm>>)
    %mul3A_28 = arith.constant 80 : i32
    %mul3A_29 = arith.muli %add3A, %mul3A_28 : i32
    %mul3A_30 = arith.constant 128 : i32
    %mul3A_31 = arith.muli %mul3A_29, %mul3A_30 : i32
    %add3A_32 = arith.constant 10112 : i32
    %add3A_33 = arith.addi %mul3A_31, %add3A_32 : i32
    %dma_wait3A_34 = arith.constant 1 : i32
    %dma_wait3A_35 = arith.constant 0 : i32
    %dma_wait3A_36 = arith.constant 0 : i32
    %dma_wait3A_37 = tpu.memref_slice %arg6[%dma_wait3A_34, %dma_wait3A_35, %dma_wait3A_36] : memref<2x128x128xf32, #tpu.memory_space<vmem>> -> memref<1x128x128xf32, #tpu.memory_space<vmem>>
    %dma_wait3A_38 = tpu.memref_squeeze %dma_wait3A_37 : memref<1x128x128xf32, #tpu.memory_space<vmem>> -> memref<128x128xf32, #tpu.memory_space<vmem>>
    %dma_wait3A_39 = arith.constant 0 : i32
    %dma_wait3A_40 = tpu.memref_slice %arg4[%add3A_33, %dma_wait3A_39] : memref<327680x128xf32, #tpu.memory_space<hbm>> -> memref<128x128xf32, #tpu.memory_space<hbm>>
    %dma_wait3A_41 = arith.constant 0 : i32
    %dma_wait3A_42 = tpu.memref_slice %arg4[%add3A_33, %dma_wait3A_41] : memref<327680x128xf32, #tpu.memory_space<hbm>> -> memref<128x128xf32, #tpu.memory_space<hbm>>
    %dma_wait3A_43 = arith.constant 0 : i32
    %dma_wait3A_44 = arith.constant 0 : i32
    %dma_wait3A_45 = tpu.memref_slice %arg6[%dma_wait3A_34, %dma_wait3A_43, %dma_wait3A_44] : memref<2x128x128xf32, #tpu.memory_space<vmem>> -> memref<1x128x128xf32, #tpu.memory_space<vmem>>
    %dma_wait3A_46 = tpu.memref_squeeze %dma_wait3A_45 : memref<1x128x128xf32, #tpu.memory_space<vmem>> -> memref<128x128xf32, #tpu.memory_space<vmem>>
    tpu.wait_dma2 semaphore(%arg9 : memref<!tpu.dma_semaphore, #tpu.memory_space<semaphore_mem>>) src(%dma_wait3A_46 : memref<128x128xf32, #tpu.memory_space<vmem>>) dst(%dma_wait3A_42 : memref<128x128xf32, #tpu.memory_space<hbm>>)
    return
  }
}

module attributes {stable_mosaic.version = 14 : i64} {
  func.func @_sage_body(%arg0: i32, %arg1: i32, %arg2: memref<2000x128xf32, #tpu.memory_space<vmem>>, %arg3: memref<2000x128xf32, #tpu.memory_space<vmem>>, %arg4: memref<2000x128xf32, #tpu.memory_space<vmem>>, %arg5: memref<2000x128xf32, #tpu.memory_space<vmem>>, %arg6: memref<2000x128xf32, #tpu.memory_space<vmem>>, %arg7: memref<2000x128xf32, #tpu.memory_space<vmem>>, %arg8: memref<2000x128xf32, #tpu.memory_space<vmem>>, %arg9: memref<2000x128xf32, #tpu.memory_space<vmem>>, %arg10: memref<2000x128xf32, #tpu.memory_space<vmem>>, %arg11: memref<128x512xbf16, #tpu.memory_space<vmem>>, %arg12: memref<128x512xbf16, #tpu.memory_space<vmem>>, %arg13: memref<1x512xf32, #tpu.memory_space<vmem>>, %arg14: memref<128x128xf32, #tpu.memory_space<vmem>>, %arg15: memref<128x128xf32, #tpu.memory_space<vmem>>, %arg16: memref<1x128xf32, #tpu.memory_space<vmem>>, %arg17: memref<1x128xf32, #tpu.memory_space<vmem>>, %arg18: memref<1x128xf32, #tpu.memory_space<vmem>>, %arg19: memref<2000x128xf32, #tpu.memory_space<vmem>>, %arg20: memref<2000x128xf32, #tpu.memory_space<vmem>>, %arg21: memref<2000x128xf32, #tpu.memory_space<vmem>>) attributes {dimension_semantics = [#tpu.dimension_semantics<arbitrary>, #tpu.dimension_semantics<arbitrary>], iteration_bounds = array<i64: 5, 4>, scalar_prefetch = 0 : i64, scratch_operands = 2 : i64, tpu.core_type = #tpu.core_type<tc>, window_params = [{transform_indices = @transform_0, window_bounds = array<i64: 2000, 128>}, {transform_indices = @transform_1, window_bounds = array<i64: 2000, 128>}, {transform_indices = @transform_2, window_bounds = array<i64: 2000, 128>}, {transform_indices = @transform_3, window_bounds = array<i64: 2000, 128>}, {transform_indices = @transform_4, window_bounds = array<i64: 2000, 128>}, {transform_indices = @transform_5, window_bounds = array<i64: 2000, 128>}, {transform_indices = @transform_6, window_bounds = array<i64: 2000, 128>}, {transform_indices = @transform_7, window_bounds = array<i64: 2000, 128>}, {transform_indices = @transform_8, window_bounds = array<i64: 2000, 128>}, {pipeline_mode = #tpu.pipeline_mode<synchronous>, transform_indices = @transform_9, window_bounds = array<i64: 128, 512>}, {pipeline_mode = #tpu.pipeline_mode<synchronous>, transform_indices = @transform_10, window_bounds = array<i64: 128, 512>}, {pipeline_mode = #tpu.pipeline_mode<synchronous>, transform_indices = @transform_11, window_bounds = array<i64: 1, 512>}, {pipeline_mode = #tpu.pipeline_mode<synchronous>, transform_indices = @transform_12, window_bounds = array<i64: 128, 128>}, {pipeline_mode = #tpu.pipeline_mode<synchronous>, transform_indices = @transform_13, window_bounds = array<i64: 128, 128>}, {pipeline_mode = #tpu.pipeline_mode<synchronous>, transform_indices = @transform_14, window_bounds = array<i64: 1, 128>}, {pipeline_mode = #tpu.pipeline_mode<synchronous>, transform_indices = @transform_15, window_bounds = array<i64: 1, 128>}, {pipeline_mode = #tpu.pipeline_mode<synchronous>, transform_indices = @transform_16, window_bounds = array<i64: 1, 128>}, {transform_indices = @transform_17, window_bounds = array<i64: 2000, 128>}]} {
    %eq3A = arith.constant 0 : i32
    %eq3A_0 = arith.cmpi eq, %arg1, %eq3A : i32
    %convert_element_type3A = arith.extui %eq3A_0 : i1 to i32
    %cond3A = arith.constant 0 : i32
    %cond3A_1 = arith.cmpi ne, %convert_element_type3A, %cond3A : i32
    scf.if %cond3A_1 {
      %broadcast_in_dim3A = arith.constant 0.000000e+00 : f32
      %broadcast_in_dim3A_356 = vector.broadcast %broadcast_in_dim3A : f32 to vector<2000x128xf32>
      %swap3A_357 = arith.constant 0 : index
      %swap3A_358 = arith.constant 0 : index
      %swap3A_359 = vector.load %arg20[%swap3A_357, %swap3A_358] : memref<2000x128xf32, #tpu.memory_space<vmem>>, vector<2000x128xf32>
      tpu.vector_store %arg20[%swap3A_357, %swap3A_358], %broadcast_in_dim3A_356 {strides = array<i32>} : memref<2000x128xf32, #tpu.memory_space<vmem>>, vector<2000x128xf32>,
      %broadcast_in_dim3A_360 = arith.constant 0.000000e+00 : f32
      %broadcast_in_dim3A_361 = vector.broadcast %broadcast_in_dim3A_360 : f32 to vector<2000x128xf32>
      %swap3A_362 = arith.constant 0 : index
      %swap3A_363 = arith.constant 0 : index
      %swap3A_364 = vector.load %arg21[%swap3A_362, %swap3A_363] : memref<2000x128xf32, #tpu.memory_space<vmem>>, vector<2000x128xf32>
      tpu.vector_store %arg21[%swap3A_362, %swap3A_363], %broadcast_in_dim3A_361 {strides = array<i32>} : memref<2000x128xf32, #tpu.memory_space<vmem>>, vector<2000x128xf32>,
    } else {
    }
    %get3A = arith.constant 0 : index
    %get3A_2 = arith.constant 0 : index
    %get3A_3 = vector.load %arg20[%get3A, %get3A_2] : memref<2000x128xf32, #tpu.memory_space<vmem>>, vector<2000x128xf32>
    %get3A_4 = arith.constant 0 : index
    %get3A_5 = arith.constant 0 : index
    %get3A_6 = vector.load %arg21[%get3A_4, %get3A_5] : memref<2000x128xf32, #tpu.memory_space<vmem>>, vector<2000x128xf32>
    %get3A_7 = arith.constant 0 : index
    %get3A_8 = arith.constant 0 : index
    %get3A_9 = vector.load %arg2[%get3A_7, %get3A_8] : memref<2000x128xf32, #tpu.memory_space<vmem>>, vector<2000x128xf32>
    %convert_element_type3A_10 = arith.truncf %get3A_9 : vector<2000x128xf32> to vector<2000x128xbf16>
    %get3A_11 = arith.constant 0 : index
    %get3A_12 = arith.constant 0 : index
    %get3A_13 = vector.load %arg11[%get3A_11, %get3A_12] : memref<128x512xbf16, #tpu.memory_space<vmem>>, vector<128x512xbf16>
    %dot_general3A = arith.constant dense<0.000000e+00> : vector<2000x512xf32>
    %dot_general3A_14 = tpu.matmul %convert_element_type3A_10, %get3A_13, %dot_general3A {dimension_numbers = #tpu.dot_dimension_numbers<[1], [0], [0], [1], [0, 0, 1, 1], [], []>, transpose_lhs_hint = false} : vector<2000x128xbf16>, vector<128x512xbf16>, vector<2000x512xf32> -> vector<2000x512xf32>
    %convert_element_type3A_15 = arith.truncf %get3A_3 : vector<2000x128xf32> to vector<2000x128xbf16>
    %get3A_16 = arith.constant 0 : index
    %get3A_17 = arith.constant 0 : index
    %get3A_18 = vector.load %arg12[%get3A_16, %get3A_17] : memref<128x512xbf16, #tpu.memory_space<vmem>>, vector<128x512xbf16>
    %dot_general3A_19 = arith.constant dense<0.000000e+00> : vector<2000x512xf32>
    %dot_general3A_20 = tpu.matmul %convert_element_type3A_15, %get3A_18, %dot_general3A_19 {dimension_numbers = #tpu.dot_dimension_numbers<[1], [0], [0], [1], [0, 0, 1, 1], [], []>, transpose_lhs_hint = false} : vector<2000x128xbf16>, vector<128x512xbf16>, vector<2000x512xf32> -> vector<2000x512xf32>
    %add3A = arith.addf %dot_general3A_14, %dot_general3A_20 : vector<2000x512xf32>
    %get3A_21 = arith.constant 0 : index
    %get3A_22 = arith.constant 0 : index
    %get3A_23 = vector.load %arg13[%get3A_21, %get3A_22] : memref<1x512xf32, #tpu.memory_space<vmem>>, vector<1x512xf32>
    %add3A_24 = vector.broadcast %get3A_23 : vector<1x512xf32> to vector<2000x512xf32>
    %add3A_25 = arith.addf %add3A, %add3A_24 : vector<2000x512xf32>
    %slice3A = vector.extract_strided_slice %add3A_25 {offsets = [0, 0], sizes = [2000, 128], strides = [1, 1]} : vector<2000x512xf32> to vector<2000x128xf32>
    %tanh3A = math.tanh %slice3A : vector<2000x128xf32>
    %slice3A_26 = vector.extract_strided_slice %add3A_25 {offsets = [0, 128], sizes = [2000, 128], strides = [1, 1]} : vector<2000x512xf32> to vector<2000x128xf32>
    %tanh3A_27 = math.tanh %slice3A_26 : vector<2000x128xf32>
    %slice3A_28 = vector.extract_strided_slice %add3A_25 {offsets = [0, 256], sizes = [2000, 128], strides = [1, 1]} : vector<2000x512xf32> to vector<2000x128xf32>
    %tanh3A_29 = math.tanh %slice3A_28 : vector<2000x128xf32>
    %slice3A_30 = vector.extract_strided_slice %add3A_25 {offsets = [0, 384], sizes = [2000, 128], strides = [1, 1]} : vector<2000x512xf32> to vector<2000x128xf32>
    %tanh3A_31 = math.tanh %slice3A_30 : vector<2000x128xf32>
    %mul3A = arith.mulf %tanh3A_27, %get3A_6 : vector<2000x128xf32>
    %add3A_32 = arith.addf %mul3A, %get3A_6 : vector<2000x128xf32>
    %mul3A_33 = arith.mulf %tanh3A, %tanh3A_29 : vector<2000x128xf32>
    %add3A_34 = arith.addf %add3A_32, %mul3A_33 : vector<2000x128xf32>
    %add3A_35 = arith.addf %add3A_34, %tanh3A_29 : vector<2000x128xf32>
    %mul3A_36 = arith.constant 5.000000e-01 : f32
    %mul3A_37 = vector.broadcast %mul3A_36 : f32 to vector<2000x128xf32>
    %mul3A_38 = arith.mulf %mul3A_37, %add3A_35 : vector<2000x128xf32>
    %tanh3A_39 = math.tanh %mul3A_38 : vector<2000x128xf32>
    %mul3A_40 = arith.mulf %tanh3A_31, %tanh3A_39 : vector<2000x128xf32>
    %add3A_41 = arith.addf %mul3A_40, %tanh3A_39 : vector<2000x128xf32>
    %mul3A_42 = arith.constant 5.000000e-01 : f32
    %mul3A_43 = vector.broadcast %mul3A_42 : f32 to vector<2000x128xf32>
    %mul3A_44 = arith.mulf %mul3A_43, %add3A_41 : vector<2000x128xf32>
    %get3A_45 = arith.constant 0 : index
    %get3A_46 = arith.constant 0 : index
    %get3A_47 = vector.load %arg3[%get3A_45, %get3A_46] : memref<2000x128xf32, #tpu.memory_space<vmem>>, vector<2000x128xf32>
    %convert_element_type3A_48 = arith.truncf %get3A_47 : vector<2000x128xf32> to vector<2000x128xbf16>
    %get3A_49 = arith.constant 0 : index
    %get3A_50 = arith.constant 0 : index
    %get3A_51 = vector.load %arg11[%get3A_49, %get3A_50] : memref<128x512xbf16, #tpu.memory_space<vmem>>, vector<128x512xbf16>
    %dot_general3A_52 = arith.constant dense<0.000000e+00> : vector<2000x512xf32>
    %dot_general3A_53 = tpu.matmul %convert_element_type3A_48, %get3A_51, %dot_general3A_52 {dimension_numbers = #tpu.dot_dimension_numbers<[1], [0], [0], [1], [0, 0, 1, 1], [], []>, transpose_lhs_hint = false} : vector<2000x128xbf16>, vector<128x512xbf16>, vector<2000x512xf32> -> vector<2000x512xf32>
    %convert_element_type3A_54 = arith.truncf %mul3A_44 : vector<2000x128xf32> to vector<2000x128xbf16>
    %get3A_55 = arith.constant 0 : index
    %get3A_56 = arith.constant 0 : index
    %get3A_57 = vector.load %arg12[%get3A_55, %get3A_56] : memref<128x512xbf16, #tpu.memory_space<vmem>>, vector<128x512xbf16>
    %dot_general3A_58 = arith.constant dense<0.000000e+00> : vector<2000x512xf32>
    %dot_general3A_59 = tpu.matmul %convert_element_type3A_54, %get3A_57, %dot_general3A_58 {dimension_numbers = #tpu.dot_dimension_numbers<[1], [0], [0], [1], [0, 0, 1, 1], [], []>, transpose_lhs_hint = false} : vector<2000x128xbf16>, vector<128x512xbf16>, vector<2000x512xf32> -> vector<2000x512xf32>
    %add3A_60 = arith.addf %dot_general3A_53, %dot_general3A_59 : vector<2000x512xf32>
    %get3A_61 = arith.constant 0 : index
    %get3A_62 = arith.constant 0 : index
    %get3A_63 = vector.load %arg13[%get3A_61, %get3A_62] : memref<1x512xf32, #tpu.memory_space<vmem>>, vector<1x512xf32>
    %add3A_64 = vector.broadcast %get3A_63 : vector<1x512xf32> to vector<2000x512xf32>
    %add3A_65 = arith.addf %add3A_60, %add3A_64 : vector<2000x512xf32>
    %slice3A_66 = vector.extract_strided_slice %add3A_65 {offsets = [0, 0], sizes = [2000, 128], strides = [1, 1]} : vector<2000x512xf32> to vector<2000x128xf32>
    %tanh3A_67 = math.tanh %slice3A_66 : vector<2000x128xf32>
    %slice3A_68 = vector.extract_strided_slice %add3A_65 {offsets = [0, 128], sizes = [2000, 128], strides = [1, 1]} : vector<2000x512xf32> to vector<2000x128xf32>
    %tanh3A_69 = math.tanh %slice3A_68 : vector<2000x128xf32>
    %slice3A_70 = vector.extract_strided_slice %add3A_65 {offsets = [0, 256], sizes = [2000, 128], strides = [1, 1]} : vector<2000x512xf32> to vector<2000x128xf32>
    %tanh3A_71 = math.tanh %slice3A_70 : vector<2000x128xf32>
    %slice3A_72 = vector.extract_strided_slice %add3A_65 {offsets = [0, 384], sizes = [2000, 128], strides = [1, 1]} : vector<2000x512xf32> to vector<2000x128xf32>
    %tanh3A_73 = math.tanh %slice3A_72 : vector<2000x128xf32>
    %mul3A_74 = arith.mulf %tanh3A_69, %mul3A_38 : vector<2000x128xf32>
    %add3A_75 = arith.addf %mul3A_74, %mul3A_38 : vector<2000x128xf32>
    %mul3A_76 = arith.mulf %tanh3A_67, %tanh3A_71 : vector<2000x128xf32>
    %add3A_77 = arith.addf %add3A_75, %mul3A_76 : vector<2000x128xf32>
    %add3A_78 = arith.addf %add3A_77, %tanh3A_71 : vector<2000x128xf32>
    %mul3A_79 = arith.constant 5.000000e-01 : f32
    %mul3A_80 = vector.broadcast %mul3A_79 : f32 to vector<2000x128xf32>
    %mul3A_81 = arith.mulf %mul3A_80, %add3A_78 : vector<2000x128xf32>
    %tanh3A_82 = math.tanh %mul3A_81 : vector<2000x128xf32>
    %mul3A_83 = arith.mulf %tanh3A_73, %tanh3A_82 : vector<2000x128xf32>
    %add3A_84 = arith.addf %mul3A_83, %tanh3A_82 : vector<2000x128xf32>
    %mul3A_85 = arith.constant 5.000000e-01 : f32
    %mul3A_86 = vector.broadcast %mul3A_85 : f32 to vector<2000x128xf32>
    %mul3A_87 = arith.mulf %mul3A_86, %add3A_84 : vector<2000x128xf32>
    %get3A_88 = arith.constant 0 : index
    %get3A_89 = arith.constant 0 : index
    %get3A_90 = vector.load %arg4[%get3A_88, %get3A_89] : memref<2000x128xf32, #tpu.memory_space<vmem>>, vector<2000x128xf32>
    %convert_element_type3A_91 = arith.truncf %get3A_90 : vector<2000x128xf32> to vector<2000x128xbf16>
    %get3A_92 = arith.constant 0 : index
    %get3A_93 = arith.constant 0 : index
    %get3A_94 = vector.load %arg11[%get3A_92, %get3A_93] : memref<128x512xbf16, #tpu.memory_space<vmem>>, vector<128x512xbf16>
    %dot_general3A_95 = arith.constant dense<0.000000e+00> : vector<2000x512xf32>
    %dot_general3A_96 = tpu.matmul %convert_element_type3A_91, %get3A_94, %dot_general3A_95 {dimension_numbers = #tpu.dot_dimension_numbers<[1], [0], [0], [1], [0, 0, 1, 1], [], []>, transpose_lhs_hint = false} : vector<2000x128xbf16>, vector<128x512xbf16>, vector<2000x512xf32> -> vector<2000x512xf32>
    %convert_element_type3A_97 = arith.truncf %mul3A_87 : vector<2000x128xf32> to vector<2000x128xbf16>
    %get3A_98 = arith.constant 0 : index
    %get3A_99 = arith.constant 0 : index
    %get3A_100 = vector.load %arg12[%get3A_98, %get3A_99] : memref<128x512xbf16, #tpu.memory_space<vmem>>, vector<128x512xbf16>
    %dot_general3A_101 = arith.constant dense<0.000000e+00> : vector<2000x512xf32>
    %dot_general3A_102 = tpu.matmul %convert_element_type3A_97, %get3A_100, %dot_general3A_101 {dimension_numbers = #tpu.dot_dimension_numbers<[1], [0], [0], [1], [0, 0, 1, 1], [], []>, transpose_lhs_hint = false} : vector<2000x128xbf16>, vector<128x512xbf16>, vector<2000x512xf32> -> vector<2000x512xf32>
    %add3A_103 = arith.addf %dot_general3A_96, %dot_general3A_102 : vector<2000x512xf32>
    %get3A_104 = arith.constant 0 : index
    %get3A_105 = arith.constant 0 : index
    %get3A_106 = vector.load %arg13[%get3A_104, %get3A_105] : memref<1x512xf32, #tpu.memory_space<vmem>>, vector<1x512xf32>
    %add3A_107 = vector.broadcast %get3A_106 : vector<1x512xf32> to vector<2000x512xf32>
    %add3A_108 = arith.addf %add3A_103, %add3A_107 : vector<2000x512xf32>
    %slice3A_109 = vector.extract_strided_slice %add3A_108 {offsets = [0, 0], sizes = [2000, 128], strides = [1, 1]} : vector<2000x512xf32> to vector<2000x128xf32>
    %tanh3A_110 = math.tanh %slice3A_109 : vector<2000x128xf32>
    %slice3A_111 = vector.extract_strided_slice %add3A_108 {offsets = [0, 128], sizes = [2000, 128], strides = [1, 1]} : vector<2000x512xf32> to vector<2000x128xf32>
    %tanh3A_112 = math.tanh %slice3A_111 : vector<2000x128xf32>
    %slice3A_113 = vector.extract_strided_slice %add3A_108 {offsets = [0, 256], sizes = [2000, 128], strides = [1, 1]} : vector<2000x512xf32> to vector<2000x128xf32>
    %tanh3A_114 = math.tanh %slice3A_113 : vector<2000x128xf32>
    %slice3A_115 = vector.extract_strided_slice %add3A_108 {offsets = [0, 384], sizes = [2000, 128], strides = [1, 1]} : vector<2000x512xf32> to vector<2000x128xf32>
    %tanh3A_116 = math.tanh %slice3A_115 : vector<2000x128xf32>
    %mul3A_117 = arith.mulf %tanh3A_112, %mul3A_81 : vector<2000x128xf32>
    %add3A_118 = arith.addf %mul3A_117, %mul3A_81 : vector<2000x128xf32>
    %mul3A_119 = arith.mulf %tanh3A_110, %tanh3A_114 : vector<2000x128xf32>
    %add3A_120 = arith.addf %add3A_118, %mul3A_119 : vector<2000x128xf32>
    %add3A_121 = arith.addf %add3A_120, %tanh3A_114 : vector<2000x128xf32>
    %mul3A_122 = arith.constant 5.000000e-01 : f32
    %mul3A_123 = vector.broadcast %mul3A_122 : f32 to vector<2000x128xf32>
    %mul3A_124 = arith.mulf %mul3A_123, %add3A_121 : vector<2000x128xf32>
    %tanh3A_125 = math.tanh %mul3A_124 : vector<2000x128xf32>
    %mul3A_126 = arith.mulf %tanh3A_116, %tanh3A_125 : vector<2000x128xf32>
    %add3A_127 = arith.addf %mul3A_126, %tanh3A_125 : vector<2000x128xf32>
    %mul3A_128 = arith.constant 5.000000e-01 : f32
    %mul3A_129 = vector.broadcast %mul3A_128 : f32 to vector<2000x128xf32>
    %mul3A_130 = arith.mulf %mul3A_129, %add3A_127 : vector<2000x128xf32>
    %get3A_131 = arith.constant 0 : index
    %get3A_132 = arith.constant 0 : index
    %get3A_133 = vector.load %arg5[%get3A_131, %get3A_132] : memref<2000x128xf32, #tpu.memory_space<vmem>>, vector<2000x128xf32>
    %convert_element_type3A_134 = arith.truncf %get3A_133 : vector<2000x128xf32> to vector<2000x128xbf16>
    %get3A_135 = arith.constant 0 : index
    %get3A_136 = arith.constant 0 : index
    %get3A_137 = vector.load %arg11[%get3A_135, %get3A_136] : memref<128x512xbf16, #tpu.memory_space<vmem>>, vector<128x512xbf16>
    %dot_general3A_138 = arith.constant dense<0.000000e+00> : vector<2000x512xf32>
    %dot_general3A_139 = tpu.matmul %convert_element_type3A_134, %get3A_137, %dot_general3A_138 {dimension_numbers = #tpu.dot_dimension_numbers<[1], [0], [0], [1], [0, 0, 1, 1], [], []>, transpose_lhs_hint = false} : vector<2000x128xbf16>, vector<128x512xbf16>, vector<2000x512xf32> -> vector<2000x512xf32>
    %convert_element_type3A_140 = arith.truncf %mul3A_130 : vector<2000x128xf32> to vector<2000x128xbf16>
    %get3A_141 = arith.constant 0 : index
    %get3A_142 = arith.constant 0 : index
    %get3A_143 = vector.load %arg12[%get3A_141, %get3A_142] : memref<128x512xbf16, #tpu.memory_space<vmem>>, vector<128x512xbf16>
    %dot_general3A_144 = arith.constant dense<0.000000e+00> : vector<2000x512xf32>
    %dot_general3A_145 = tpu.matmul %convert_element_type3A_140, %get3A_143, %dot_general3A_144 {dimension_numbers = #tpu.dot_dimension_numbers<[1], [0], [0], [1], [0, 0, 1, 1], [], []>, transpose_lhs_hint = false} : vector<2000x128xbf16>, vector<128x512xbf16>, vector<2000x512xf32> -> vector<2000x512xf32>
    %add3A_146 = arith.addf %dot_general3A_139, %dot_general3A_145 : vector<2000x512xf32>
    %get3A_147 = arith.constant 0 : index
    %get3A_148 = arith.constant 0 : index
    %get3A_149 = vector.load %arg13[%get3A_147, %get3A_148] : memref<1x512xf32, #tpu.memory_space<vmem>>, vector<1x512xf32>
    %add3A_150 = vector.broadcast %get3A_149 : vector<1x512xf32> to vector<2000x512xf32>
    %add3A_151 = arith.addf %add3A_146, %add3A_150 : vector<2000x512xf32>
    %slice3A_152 = vector.extract_strided_slice %add3A_151 {offsets = [0, 0], sizes = [2000, 128], strides = [1, 1]} : vector<2000x512xf32> to vector<2000x128xf32>
    %tanh3A_153 = math.tanh %slice3A_152 : vector<2000x128xf32>
    %slice3A_154 = vector.extract_strided_slice %add3A_151 {offsets = [0, 128], sizes = [2000, 128], strides = [1, 1]} : vector<2000x512xf32> to vector<2000x128xf32>
    %tanh3A_155 = math.tanh %slice3A_154 : vector<2000x128xf32>
    %slice3A_156 = vector.extract_strided_slice %add3A_151 {offsets = [0, 256], sizes = [2000, 128], strides = [1, 1]} : vector<2000x512xf32> to vector<2000x128xf32>
    %tanh3A_157 = math.tanh %slice3A_156 : vector<2000x128xf32>
    %slice3A_158 = vector.extract_strided_slice %add3A_151 {offsets = [0, 384], sizes = [2000, 128], strides = [1, 1]} : vector<2000x512xf32> to vector<2000x128xf32>
    %tanh3A_159 = math.tanh %slice3A_158 : vector<2000x128xf32>
    %mul3A_160 = arith.mulf %tanh3A_155, %mul3A_124 : vector<2000x128xf32>
    %add3A_161 = arith.addf %mul3A_160, %mul3A_124 : vector<2000x128xf32>
    %mul3A_162 = arith.mulf %tanh3A_153, %tanh3A_157 : vector<2000x128xf32>
    %add3A_163 = arith.addf %add3A_161, %mul3A_162 : vector<2000x128xf32>
    %add3A_164 = arith.addf %add3A_163, %tanh3A_157 : vector<2000x128xf32>
    %mul3A_165 = arith.constant 5.000000e-01 : f32
    %mul3A_166 = vector.broadcast %mul3A_165 : f32 to vector<2000x128xf32>
    %mul3A_167 = arith.mulf %mul3A_166, %add3A_164 : vector<2000x128xf32>
    %tanh3A_168 = math.tanh %mul3A_167 : vector<2000x128xf32>
    %mul3A_169 = arith.mulf %tanh3A_159, %tanh3A_168 : vector<2000x128xf32>
    %add3A_170 = arith.addf %mul3A_169, %tanh3A_168 : vector<2000x128xf32>
    %mul3A_171 = arith.constant 5.000000e-01 : f32
    %mul3A_172 = vector.broadcast %mul3A_171 : f32 to vector<2000x128xf32>
    %mul3A_173 = arith.mulf %mul3A_172, %add3A_170 : vector<2000x128xf32>
    %get3A_174 = arith.constant 0 : index
    %get3A_175 = arith.constant 0 : index
    %get3A_176 = vector.load %arg6[%get3A_174, %get3A_175] : memref<2000x128xf32, #tpu.memory_space<vmem>>, vector<2000x128xf32>
    %convert_element_type3A_177 = arith.truncf %get3A_176 : vector<2000x128xf32> to vector<2000x128xbf16>
    %get3A_178 = arith.constant 0 : index
    %get3A_179 = arith.constant 0 : index
    %get3A_180 = vector.load %arg11[%get3A_178, %get3A_179] : memref<128x512xbf16, #tpu.memory_space<vmem>>, vector<128x512xbf16>
    %dot_general3A_181 = arith.constant dense<0.000000e+00> : vector<2000x512xf32>
    %dot_general3A_182 = tpu.matmul %convert_element_type3A_177, %get3A_180, %dot_general3A_181 {dimension_numbers = #tpu.dot_dimension_numbers<[1], [0], [0], [1], [0, 0, 1, 1], [], []>, transpose_lhs_hint = false} : vector<2000x128xbf16>, vector<128x512xbf16>, vector<2000x512xf32> -> vector<2000x512xf32>
    %convert_element_type3A_183 = arith.truncf %mul3A_173 : vector<2000x128xf32> to vector<2000x128xbf16>
    %get3A_184 = arith.constant 0 : index
    %get3A_185 = arith.constant 0 : index
    %get3A_186 = vector.load %arg12[%get3A_184, %get3A_185] : memref<128x512xbf16, #tpu.memory_space<vmem>>, vector<128x512xbf16>
    %dot_general3A_187 = arith.constant dense<0.000000e+00> : vector<2000x512xf32>
    %dot_general3A_188 = tpu.matmul %convert_element_type3A_183, %get3A_186, %dot_general3A_187 {dimension_numbers = #tpu.dot_dimension_numbers<[1], [0], [0], [1], [0, 0, 1, 1], [], []>, transpose_lhs_hint = false} : vector<2000x128xbf16>, vector<128x512xbf16>, vector<2000x512xf32> -> vector<2000x512xf32>
    %add3A_189 = arith.addf %dot_general3A_182, %dot_general3A_188 : vector<2000x512xf32>
    %get3A_190 = arith.constant 0 : index
    %get3A_191 = arith.constant 0 : index
    %get3A_192 = vector.load %arg13[%get3A_190, %get3A_191] : memref<1x512xf32, #tpu.memory_space<vmem>>, vector<1x512xf32>
    %add3A_193 = vector.broadcast %get3A_192 : vector<1x512xf32> to vector<2000x512xf32>
    %add3A_194 = arith.addf %add3A_189, %add3A_193 : vector<2000x512xf32>
    %slice3A_195 = vector.extract_strided_slice %add3A_194 {offsets = [0, 0], sizes = [2000, 128], strides = [1, 1]} : vector<2000x512xf32> to vector<2000x128xf32>
    %tanh3A_196 = math.tanh %slice3A_195 : vector<2000x128xf32>
    %slice3A_197 = vector.extract_strided_slice %add3A_194 {offsets = [0, 128], sizes = [2000, 128], strides = [1, 1]} : vector<2000x512xf32> to vector<2000x128xf32>
    %tanh3A_198 = math.tanh %slice3A_197 : vector<2000x128xf32>
    %slice3A_199 = vector.extract_strided_slice %add3A_194 {offsets = [0, 256], sizes = [2000, 128], strides = [1, 1]} : vector<2000x512xf32> to vector<2000x128xf32>
    %tanh3A_200 = math.tanh %slice3A_199 : vector<2000x128xf32>
    %slice3A_201 = vector.extract_strided_slice %add3A_194 {offsets = [0, 384], sizes = [2000, 128], strides = [1, 1]} : vector<2000x512xf32> to vector<2000x128xf32>
    %tanh3A_202 = math.tanh %slice3A_201 : vector<2000x128xf32>
    %mul3A_203 = arith.mulf %tanh3A_198, %mul3A_167 : vector<2000x128xf32>
    %add3A_204 = arith.addf %mul3A_203, %mul3A_167 : vector<2000x128xf32>
    %mul3A_205 = arith.mulf %tanh3A_196, %tanh3A_200 : vector<2000x128xf32>
    %add3A_206 = arith.addf %add3A_204, %mul3A_205 : vector<2000x128xf32>
    %add3A_207 = arith.addf %add3A_206, %tanh3A_200 : vector<2000x128xf32>
    %mul3A_208 = arith.constant 5.000000e-01 : f32
    %mul3A_209 = vector.broadcast %mul3A_208 : f32 to vector<2000x128xf32>
    %mul3A_210 = arith.mulf %mul3A_209, %add3A_207 : vector<2000x128xf32>
    %tanh3A_211 = math.tanh %mul3A_210 : vector<2000x128xf32>
    %mul3A_212 = arith.mulf %tanh3A_202, %tanh3A_211 : vector<2000x128xf32>
    %add3A_213 = arith.addf %mul3A_212, %tanh3A_211 : vector<2000x128xf32>
    %mul3A_214 = arith.constant 5.000000e-01 : f32
    %mul3A_215 = vector.broadcast %mul3A_214 : f32 to vector<2000x128xf32>
    %mul3A_216 = arith.mulf %mul3A_215, %add3A_213 : vector<2000x128xf32>
    %get3A_217 = arith.constant 0 : index
    %get3A_218 = arith.constant 0 : index
    %get3A_219 = vector.load %arg7[%get3A_217, %get3A_218] : memref<2000x128xf32, #tpu.memory_space<vmem>>, vector<2000x128xf32>
    %convert_element_type3A_220 = arith.truncf %get3A_219 : vector<2000x128xf32> to vector<2000x128xbf16>
    %get3A_221 = arith.constant 0 : index
    %get3A_222 = arith.constant 0 : index
    %get3A_223 = vector.load %arg11[%get3A_221, %get3A_222] : memref<128x512xbf16, #tpu.memory_space<vmem>>, vector<128x512xbf16>
    %dot_general3A_224 = arith.constant dense<0.000000e+00> : vector<2000x512xf32>
    %dot_general3A_225 = tpu.matmul %convert_element_type3A_220, %get3A_223, %dot_general3A_224 {dimension_numbers = #tpu.dot_dimension_numbers<[1], [0], [0], [1], [0, 0, 1, 1], [], []>, transpose_lhs_hint = false} : vector<2000x128xbf16>, vector<128x512xbf16>, vector<2000x512xf32> -> vector<2000x512xf32>
    %convert_element_type3A_226 = arith.truncf %mul3A_216 : vector<2000x128xf32> to vector<2000x128xbf16>
    %get3A_227 = arith.constant 0 : index
    %get3A_228 = arith.constant 0 : index
    %get3A_229 = vector.load %arg12[%get3A_227, %get3A_228] : memref<128x512xbf16, #tpu.memory_space<vmem>>, vector<128x512xbf16>
    %dot_general3A_230 = arith.constant dense<0.000000e+00> : vector<2000x512xf32>
    %dot_general3A_231 = tpu.matmul %convert_element_type3A_226, %get3A_229, %dot_general3A_230 {dimension_numbers = #tpu.dot_dimension_numbers<[1], [0], [0], [1], [0, 0, 1, 1], [], []>, transpose_lhs_hint = false} : vector<2000x128xbf16>, vector<128x512xbf16>, vector<2000x512xf32> -> vector<2000x512xf32>
    %add3A_232 = arith.addf %dot_general3A_225, %dot_general3A_231 : vector<2000x512xf32>
    %get3A_233 = arith.constant 0 : index
    %get3A_234 = arith.constant 0 : index
    %get3A_235 = vector.load %arg13[%get3A_233, %get3A_234] : memref<1x512xf32, #tpu.memory_space<vmem>>, vector<1x512xf32>
    %add3A_236 = vector.broadcast %get3A_235 : vector<1x512xf32> to vector<2000x512xf32>
    %add3A_237 = arith.addf %add3A_232, %add3A_236 : vector<2000x512xf32>
    %slice3A_238 = vector.extract_strided_slice %add3A_237 {offsets = [0, 0], sizes = [2000, 128], strides = [1, 1]} : vector<2000x512xf32> to vector<2000x128xf32>
    %tanh3A_239 = math.tanh %slice3A_238 : vector<2000x128xf32>
    %slice3A_240 = vector.extract_strided_slice %add3A_237 {offsets = [0, 128], sizes = [2000, 128], strides = [1, 1]} : vector<2000x512xf32> to vector<2000x128xf32>
    %tanh3A_241 = math.tanh %slice3A_240 : vector<2000x128xf32>
    %slice3A_242 = vector.extract_strided_slice %add3A_237 {offsets = [0, 256], sizes = [2000, 128], strides = [1, 1]} : vector<2000x512xf32> to vector<2000x128xf32>
    %tanh3A_243 = math.tanh %slice3A_242 : vector<2000x128xf32>
    %slice3A_244 = vector.extract_strided_slice %add3A_237 {offsets = [0, 384], sizes = [2000, 128], strides = [1, 1]} : vector<2000x512xf32> to vector<2000x128xf32>
    %tanh3A_245 = math.tanh %slice3A_244 : vector<2000x128xf32>
    %mul3A_246 = arith.mulf %tanh3A_241, %mul3A_210 : vector<2000x128xf32>
    %add3A_247 = arith.addf %mul3A_246, %mul3A_210 : vector<2000x128xf32>
    %mul3A_248 = arith.mulf %tanh3A_239, %tanh3A_243 : vector<2000x128xf32>
    %add3A_249 = arith.addf %add3A_247, %mul3A_248 : vector<2000x128xf32>
    %add3A_250 = arith.addf %add3A_249, %tanh3A_243 : vector<2000x128xf32>
    %mul3A_251 = arith.constant 5.000000e-01 : f32
    %mul3A_252 = vector.broadcast %mul3A_251 : f32 to vector<2000x128xf32>
    %mul3A_253 = arith.mulf %mul3A_252, %add3A_250 : vector<2000x128xf32>
    %tanh3A_254 = math.tanh %mul3A_253 : vector<2000x128xf32>
    %mul3A_255 = arith.mulf %tanh3A_245, %tanh3A_254 : vector<2000x128xf32>
    %add3A_256 = arith.addf %mul3A_255, %tanh3A_254 : vector<2000x128xf32>
    %mul3A_257 = arith.constant 5.000000e-01 : f32
    %mul3A_258 = vector.broadcast %mul3A_257 : f32 to vector<2000x128xf32>
    %mul3A_259 = arith.mulf %mul3A_258, %add3A_256 : vector<2000x128xf32>
    %get3A_260 = arith.constant 0 : index
    %get3A_261 = arith.constant 0 : index
    %get3A_262 = vector.load %arg8[%get3A_260, %get3A_261] : memref<2000x128xf32, #tpu.memory_space<vmem>>, vector<2000x128xf32>
    %convert_element_type3A_263 = arith.truncf %get3A_262 : vector<2000x128xf32> to vector<2000x128xbf16>
    %get3A_264 = arith.constant 0 : index
    %get3A_265 = arith.constant 0 : index
    %get3A_266 = vector.load %arg11[%get3A_264, %get3A_265] : memref<128x512xbf16, #tpu.memory_space<vmem>>, vector<128x512xbf16>
    %dot_general3A_267 = arith.constant dense<0.000000e+00> : vector<2000x512xf32>
    %dot_general3A_268 = tpu.matmul %convert_element_type3A_263, %get3A_266, %dot_general3A_267 {dimension_numbers = #tpu.dot_dimension_numbers<[1], [0], [0], [1], [0, 0, 1, 1], [], []>, transpose_lhs_hint = false} : vector<2000x128xbf16>, vector<128x512xbf16>, vector<2000x512xf32> -> vector<2000x512xf32>
    %convert_element_type3A_269 = arith.truncf %mul3A_259 : vector<2000x128xf32> to vector<2000x128xbf16>
    %get3A_270 = arith.constant 0 : index
    %get3A_271 = arith.constant 0 : index
    %get3A_272 = vector.load %arg12[%get3A_270, %get3A_271] : memref<128x512xbf16, #tpu.memory_space<vmem>>, vector<128x512xbf16>
    %dot_general3A_273 = arith.constant dense<0.000000e+00> : vector<2000x512xf32>
    %dot_general3A_274 = tpu.matmul %convert_element_type3A_269, %get3A_272, %dot_general3A_273 {dimension_numbers = #tpu.dot_dimension_numbers<[1], [0], [0], [1], [0, 0, 1, 1], [], []>, transpose_lhs_hint = false} : vector<2000x128xbf16>, vector<128x512xbf16>, vector<2000x512xf32> -> vector<2000x512xf32>
    %add3A_275 = arith.addf %dot_general3A_268, %dot_general3A_274 : vector<2000x512xf32>
    %get3A_276 = arith.constant 0 : index
    %get3A_277 = arith.constant 0 : index
    %get3A_278 = vector.load %arg13[%get3A_276, %get3A_277] : memref<1x512xf32, #tpu.memory_space<vmem>>, vector<1x512xf32>
    %add3A_279 = vector.broadcast %get3A_278 : vector<1x512xf32> to vector<2000x512xf32>
    %add3A_280 = arith.addf %add3A_275, %add3A_279 : vector<2000x512xf32>
    %slice3A_281 = vector.extract_strided_slice %add3A_280 {offsets = [0, 0], sizes = [2000, 128], strides = [1, 1]} : vector<2000x512xf32> to vector<2000x128xf32>
    %tanh3A_282 = math.tanh %slice3A_281 : vector<2000x128xf32>
    %slice3A_283 = vector.extract_strided_slice %add3A_280 {offsets = [0, 128], sizes = [2000, 128], strides = [1, 1]} : vector<2000x512xf32> to vector<2000x128xf32>
    %tanh3A_284 = math.tanh %slice3A_283 : vector<2000x128xf32>
    %slice3A_285 = vector.extract_strided_slice %add3A_280 {offsets = [0, 256], sizes = [2000, 128], strides = [1, 1]} : vector<2000x512xf32> to vector<2000x128xf32>
    %tanh3A_286 = math.tanh %slice3A_285 : vector<2000x128xf32>
    %slice3A_287 = vector.extract_strided_slice %add3A_280 {offsets = [0, 384], sizes = [2000, 128], strides = [1, 1]} : vector<2000x512xf32> to vector<2000x128xf32>
    %tanh3A_288 = math.tanh %slice3A_287 : vector<2000x128xf32>
    %mul3A_289 = arith.mulf %tanh3A_284, %mul3A_253 : vector<2000x128xf32>
    %add3A_290 = arith.addf %mul3A_289, %mul3A_253 : vector<2000x128xf32>
    %mul3A_291 = arith.mulf %tanh3A_282, %tanh3A_286 : vector<2000x128xf32>
    %add3A_292 = arith.addf %add3A_290, %mul3A_291 : vector<2000x128xf32>
    %add3A_293 = arith.addf %add3A_292, %tanh3A_286 : vector<2000x128xf32>
    %mul3A_294 = arith.constant 5.000000e-01 : f32
    %mul3A_295 = vector.broadcast %mul3A_294 : f32 to vector<2000x128xf32>
    %mul3A_296 = arith.mulf %mul3A_295, %add3A_293 : vector<2000x128xf32>
    %tanh3A_297 = math.tanh %mul3A_296 : vector<2000x128xf32>
    %mul3A_298 = arith.mulf %tanh3A_288, %tanh3A_297 : vector<2000x128xf32>
    %add3A_299 = arith.addf %mul3A_298, %tanh3A_297 : vector<2000x128xf32>
    %mul3A_300 = arith.constant 5.000000e-01 : f32
    %mul3A_301 = vector.broadcast %mul3A_300 : f32 to vector<2000x128xf32>
    %mul3A_302 = arith.mulf %mul3A_301, %add3A_299 : vector<2000x128xf32>
    %get3A_303 = arith.constant 0 : index
    %get3A_304 = arith.constant 0 : index
    %get3A_305 = vector.load %arg9[%get3A_303, %get3A_304] : memref<2000x128xf32, #tpu.memory_space<vmem>>, vector<2000x128xf32>
    %convert_element_type3A_306 = arith.truncf %get3A_305 : vector<2000x128xf32> to vector<2000x128xbf16>
    %get3A_307 = arith.constant 0 : index
    %get3A_308 = arith.constant 0 : index
    %get3A_309 = vector.load %arg11[%get3A_307, %get3A_308] : memref<128x512xbf16, #tpu.memory_space<vmem>>, vector<128x512xbf16>
    %dot_general3A_310 = arith.constant dense<0.000000e+00> : vector<2000x512xf32>
    %dot_general3A_311 = tpu.matmul %convert_element_type3A_306, %get3A_309, %dot_general3A_310 {dimension_numbers = #tpu.dot_dimension_numbers<[1], [0], [0], [1], [0, 0, 1, 1], [], []>, transpose_lhs_hint = false} : vector<2000x128xbf16>, vector<128x512xbf16>, vector<2000x512xf32> -> vector<2000x512xf32>
    %convert_element_type3A_312 = arith.truncf %mul3A_302 : vector<2000x128xf32> to vector<2000x128xbf16>
    %get3A_313 = arith.constant 0 : index
    %get3A_314 = arith.constant 0 : index
    %get3A_315 = vector.load %arg12[%get3A_313, %get3A_314] : memref<128x512xbf16, #tpu.memory_space<vmem>>, vector<128x512xbf16>
    %dot_general3A_316 = arith.constant dense<0.000000e+00> : vector<2000x512xf32>
    %dot_general3A_317 = tpu.matmul %convert_element_type3A_312, %get3A_315, %dot_general3A_316 {dimension_numbers = #tpu.dot_dimension_numbers<[1], [0], [0], [1], [0, 0, 1, 1], [], []>, transpose_lhs_hint = false} : vector<2000x128xbf16>, vector<128x512xbf16>, vector<2000x512xf32> -> vector<2000x512xf32>
    %add3A_318 = arith.addf %dot_general3A_311, %dot_general3A_317 : vector<2000x512xf32>
    %get3A_319 = arith.constant 0 : index
    %get3A_320 = arith.constant 0 : index
    %get3A_321 = vector.load %arg13[%get3A_319, %get3A_320] : memref<1x512xf32, #tpu.memory_space<vmem>>, vector<1x512xf32>
    %add3A_322 = vector.broadcast %get3A_321 : vector<1x512xf32> to vector<2000x512xf32>
    %add3A_323 = arith.addf %add3A_318, %add3A_322 : vector<2000x512xf32>
    %slice3A_324 = vector.extract_strided_slice %add3A_323 {offsets = [0, 0], sizes = [2000, 128], strides = [1, 1]} : vector<2000x512xf32> to vector<2000x128xf32>
    %tanh3A_325 = math.tanh %slice3A_324 : vector<2000x128xf32>
    %slice3A_326 = vector.extract_strided_slice %add3A_323 {offsets = [0, 128], sizes = [2000, 128], strides = [1, 1]} : vector<2000x512xf32> to vector<2000x128xf32>
    %tanh3A_327 = math.tanh %slice3A_326 : vector<2000x128xf32>
    %slice3A_328 = vector.extract_strided_slice %add3A_323 {offsets = [0, 256], sizes = [2000, 128], strides = [1, 1]} : vector<2000x512xf32> to vector<2000x128xf32>
    %tanh3A_329 = math.tanh %slice3A_328 : vector<2000x128xf32>
    %slice3A_330 = vector.extract_strided_slice %add3A_323 {offsets = [0, 384], sizes = [2000, 128], strides = [1, 1]} : vector<2000x512xf32> to vector<2000x128xf32>
    %tanh3A_331 = math.tanh %slice3A_330 : vector<2000x128xf32>
    %mul3A_332 = arith.mulf %tanh3A_327, %mul3A_296 : vector<2000x128xf32>
    %add3A_333 = arith.addf %mul3A_332, %mul3A_296 : vector<2000x128xf32>
    %mul3A_334 = arith.mulf %tanh3A_325, %tanh3A_329 : vector<2000x128xf32>
    %add3A_335 = arith.addf %add3A_333, %mul3A_334 : vector<2000x128xf32>
    %add3A_336 = arith.addf %add3A_335, %tanh3A_329 : vector<2000x128xf32>
    %mul3A_337 = arith.constant 5.000000e-01 : f32
    %mul3A_338 = vector.broadcast %mul3A_337 : f32 to vector<2000x128xf32>
    %mul3A_339 = arith.mulf %mul3A_338, %add3A_336 : vector<2000x128xf32>
    %tanh3A_340 = math.tanh %mul3A_339 : vector<2000x128xf32>
    %mul3A_341 = arith.mulf %tanh3A_331, %tanh3A_340 : vector<2000x128xf32>
    %add3A_342 = arith.addf %mul3A_341, %tanh3A_340 : vector<2000x128xf32>
    %mul3A_343 = arith.constant 5.000000e-01 : f32
    %mul3A_344 = vector.broadcast %mul3A_343 : f32 to vector<2000x128xf32>
    %mul3A_345 = arith.mulf %mul3A_344, %add3A_342 : vector<2000x128xf32>
    %swap3A = arith.constant 0 : index
    %swap3A_346 = arith.constant 0 : index
    %swap3A_347 = vector.load %arg21[%swap3A, %swap3A_346] : memref<2000x128xf32, #tpu.memory_space<vmem>>, vector<2000x128xf32>
    tpu.vector_store %arg21[%swap3A, %swap3A_346], %mul3A_339 {strides = array<i32>} : memref<2000x128xf32, #tpu.memory_space<vmem>>, vector<2000x128xf32>,
    %swap3A_348 = arith.constant 0 : index
    %swap3A_349 = arith.constant 0 : index
    %swap3A_350 = vector.load %arg20[%swap3A_348, %swap3A_349] : memref<2000x128xf32, #tpu.memory_space<vmem>>, vector<2000x128xf32>
    tpu.vector_store %arg20[%swap3A_348, %swap3A_349], %mul3A_345 {strides = array<i32>} : memref<2000x128xf32, #tpu.memory_space<vmem>>, vector<2000x128xf32>,
    %eq3A_351 = arith.constant 3 : i32
    %eq3A_352 = arith.cmpi eq, %arg1, %eq3A_351 : i32
    %convert_element_type3A_353 = arith.extui %eq3A_352 : i1 to i32
    %cond3A_354 = arith.constant 0 : i32
    %cond3A_355 = arith.cmpi ne, %convert_element_type3A_353, %cond3A_354 : i32
    scf.if %cond3A_355 {
      %get3A_356 = arith.constant 0 : index
      %get3A_357 = arith.constant 0 : index
      %get3A_358 = vector.load %arg10[%get3A_356, %get3A_357] : memref<2000x128xf32, #tpu.memory_space<vmem>>, vector<2000x128xf32>
      %get3A_359 = arith.constant 0 : index
      %get3A_360 = arith.constant 0 : index
      %get3A_361 = vector.load %arg14[%get3A_359, %get3A_360] : memref<128x128xf32, #tpu.memory_space<vmem>>, vector<128x128xf32>
      %dot_general3A_362 = arith.constant dense<0.000000e+00> : vector<2000x128xf32>
      %dot_general3A_363 = tpu.matmul %get3A_358, %get3A_361, %dot_general3A_362 {dimension_numbers = #tpu.dot_dimension_numbers<[1], [0], [0], [1], [0, 0, 1, 1], [], []>, transpose_lhs_hint = false} : vector<2000x128xf32>, vector<128x128xf32>, vector<2000x128xf32> -> vector<2000x128xf32>
      %get3A_364 = arith.constant 0 : index
      %get3A_365 = arith.constant 0 : index
      %get3A_366 = vector.load %arg15[%get3A_364, %get3A_365] : memref<128x128xf32, #tpu.memory_space<vmem>>, vector<128x128xf32>
      %dot_general3A_367 = arith.constant dense<0.000000e+00> : vector<2000x128xf32>
      %dot_general3A_368 = tpu.matmul %mul3A_345, %get3A_366, %dot_general3A_367 {dimension_numbers = #tpu.dot_dimension_numbers<[1], [0], [0], [1], [0, 0, 1, 1], [], []>, transpose_lhs_hint = false} : vector<2000x128xf32>, vector<128x128xf32>, vector<2000x128xf32> -> vector<2000x128xf32>
      %add3A_369 = arith.addf %dot_general3A_363, %dot_general3A_368 : vector<2000x128xf32>
      %get3A_370 = arith.constant 0 : index
      %get3A_371 = arith.constant 0 : index
      %get3A_372 = vector.load %arg16[%get3A_370, %get3A_371] : memref<1x128xf32, #tpu.memory_space<vmem>>, vector<1x128xf32>
      %add3A_373 = vector.broadcast %get3A_372 : vector<1x128xf32> to vector<2000x128xf32>
      %add3A_374 = arith.addf %add3A_369, %add3A_373 : vector<2000x128xf32>
      %reduce_sum3A = arith.constant dense<0.000000e+00> : vector<2000xf32>
      %reduce_sum3A_375 = vector.multi_reduction <add>, %add3A_374, %reduce_sum3A [1] : vector<2000x128xf32> to vector<2000xf32>
      %broadcast_in_dim3A = vector.shape_cast %reduce_sum3A_375 : vector<2000xf32> to vector<2000x1xf32>
      %div3A = arith.constant 1.280000e+02 : f32
      %div3A_376 = vector.broadcast %div3A : f32 to vector<2000x1xf32>
      %div3A_377 = arith.divf %broadcast_in_dim3A, %div3A_376 : vector<2000x1xf32>
      %sub3A = vector.broadcast %div3A_377 : vector<2000x1xf32> to vector<2000x128xf32>
      %sub3A_378 = arith.subf %add3A_374, %sub3A : vector<2000x128xf32>
      %integer_pow3A = arith.mulf %sub3A_378, %sub3A_378 : vector<2000x128xf32>
      %reduce_sum3A_379 = arith.constant dense<0.000000e+00> : vector<2000xf32>
      %reduce_sum3A_380 = vector.multi_reduction <add>, %integer_pow3A, %reduce_sum3A_379 [1] : vector<2000x128xf32> to vector<2000xf32>
      %broadcast_in_dim3A_381 = vector.shape_cast %reduce_sum3A_380 : vector<2000xf32> to vector<2000x1xf32>
      %div3A_382 = arith.constant 1.280000e+02 : f32
      %div3A_383 = vector.broadcast %div3A_382 : f32 to vector<2000x1xf32>
      %div3A_384 = arith.divf %broadcast_in_dim3A_381, %div3A_383 : vector<2000x1xf32>
      %sub3A_385 = vector.broadcast %div3A_377 : vector<2000x1xf32> to vector<2000x128xf32>
      %sub3A_386 = arith.subf %add3A_374, %sub3A_385 : vector<2000x128xf32>
      %add3A_387 = arith.constant 9.99999974E-6 : f32
      %add3A_388 = vector.broadcast %add3A_387 : f32 to vector<2000x1xf32>
      %add3A_389 = arith.addf %div3A_384, %add3A_388 : vector<2000x1xf32>
      %rsqrt3A = math.rsqrt %add3A_389 : vector<2000x1xf32>
      %mul3A_390 = vector.broadcast %rsqrt3A : vector<2000x1xf32> to vector<2000x128xf32>
      %mul3A_391 = arith.mulf %sub3A_386, %mul3A_390 : vector<2000x128xf32>
      %get3A_392 = arith.constant 0 : index
      %get3A_393 = arith.constant 0 : index
      %get3A_394 = vector.load %arg17[%get3A_392, %get3A_393] : memref<1x128xf32, #tpu.memory_space<vmem>>, vector<1x128xf32>
      %mul3A_395 = vector.broadcast %get3A_394 : vector<1x128xf32> to vector<2000x128xf32>
      %mul3A_396 = arith.mulf %mul3A_391, %mul3A_395 : vector<2000x128xf32>
      %get3A_397 = arith.constant 0 : index
      %get3A_398 = arith.constant 0 : index
      %get3A_399 = vector.load %arg18[%get3A_397, %get3A_398] : memref<1x128xf32, #tpu.memory_space<vmem>>, vector<1x128xf32>
      %add3A_400 = vector.broadcast %get3A_399 : vector<1x128xf32> to vector<2000x128xf32>
      %add3A_401 = arith.addf %mul3A_396, %add3A_400 : vector<2000x128xf32>
      %max3A = arith.constant 0.000000e+00 : f32
      %max3A_402 = vector.broadcast %max3A : f32 to vector<2000x128xf32>
      %max3A_403 = arith.maximumf %add3A_401, %max3A_402 : vector<2000x128xf32>
      %swap3A_404 = arith.constant 0 : index
      %swap3A_405 = arith.constant 0 : index
      %swap3A_406 = vector.load %arg19[%swap3A_404, %swap3A_405] : memref<2000x128xf32, #tpu.memory_space<vmem>>, vector<2000x128xf32>
      tpu.vector_store %arg19[%swap3A_404, %swap3A_405], %max3A_403 {strides = array<i32>} : memref<2000x128xf32, #tpu.memory_space<vmem>>, vector<2000x128xf32>,
    } else {
    }
    return
  }
  func.func @transform_0(%arg0: i32, %arg1: i32) -> (i32, i32) {
    %mul3A = arith.constant 8 : i32
    %mul3A_0 = arith.muli %mul3A, %arg1 : i32
    %add3A = arith.constant 0 : i32
    %add3A_1 = arith.addi %mul3A_0, %add3A : i32
    %mul3A_2 = arith.constant 5 : i32
    %mul3A_3 = arith.muli %add3A_1, %mul3A_2 : i32
    %add3A_4 = arith.addi %mul3A_3, %arg0 : i32
    %c0_i32 = arith.constant 0 : i32
    %c0_i32_5 = arith.constant 0 : i32
    return %add3A_4, %c0_i32 : i32, i32
  }
  func.func @transform_1(%arg0: i32, %arg1: i32) -> (i32, i32) {
    %mul3A = arith.constant 8 : i32
    %mul3A_0 = arith.muli %mul3A, %arg1 : i32
    %add3A = arith.constant 1 : i32
    %add3A_1 = arith.addi %mul3A_0, %add3A : i32
    %mul3A_2 = arith.constant 5 : i32
    %mul3A_3 = arith.muli %add3A_1, %mul3A_2 : i32
    %add3A_4 = arith.addi %mul3A_3, %arg0 : i32
    %c0_i32 = arith.constant 0 : i32
    %c0_i32_5 = arith.constant 0 : i32
    return %add3A_4, %c0_i32 : i32, i32
  }
  func.func @transform_2(%arg0: i32, %arg1: i32) -> (i32, i32) {
    %mul3A = arith.constant 8 : i32
    %mul3A_0 = arith.muli %mul3A, %arg1 : i32
    %add3A = arith.constant 2 : i32
    %add3A_1 = arith.addi %mul3A_0, %add3A : i32
    %mul3A_2 = arith.constant 5 : i32
    %mul3A_3 = arith.muli %add3A_1, %mul3A_2 : i32
    %add3A_4 = arith.addi %mul3A_3, %arg0 : i32
    %c0_i32 = arith.constant 0 : i32
    %c0_i32_5 = arith.constant 0 : i32
    return %add3A_4, %c0_i32 : i32, i32
  }
  func.func @transform_3(%arg0: i32, %arg1: i32) -> (i32, i32) {
    %mul3A = arith.constant 8 : i32
    %mul3A_0 = arith.muli %mul3A, %arg1 : i32
    %add3A = arith.constant 3 : i32
    %add3A_1 = arith.addi %mul3A_0, %add3A : i32
    %mul3A_2 = arith.constant 5 : i32
    %mul3A_3 = arith.muli %add3A_1, %mul3A_2 : i32
    %add3A_4 = arith.addi %mul3A_3, %arg0 : i32
    %c0_i32 = arith.constant 0 : i32
    %c0_i32_5 = arith.constant 0 : i32
    return %add3A_4, %c0_i32 : i32, i32
  }
  func.func @transform_4(%arg0: i32, %arg1: i32) -> (i32, i32) {
    %mul3A = arith.constant 8 : i32
    %mul3A_0 = arith.muli %mul3A, %arg1 : i32
    %add3A = arith.constant 4 : i32
    %add3A_1 = arith.addi %mul3A_0, %add3A : i32
    %mul3A_2 = arith.constant 5 : i32
    %mul3A_3 = arith.muli %add3A_1, %mul3A_2 : i32
    %add3A_4 = arith.addi %mul3A_3, %arg0 : i32
    %c0_i32 = arith.constant 0 : i32
    %c0_i32_5 = arith.constant 0 : i32
    return %add3A_4, %c0_i32 : i32, i32
  }
  func.func @transform_5(%arg0: i32, %arg1: i32) -> (i32, i32) {
    %mul3A = arith.constant 8 : i32
    %mul3A_0 = arith.muli %mul3A, %arg1 : i32
    %add3A = arith.constant 5 : i32
    %add3A_1 = arith.addi %mul3A_0, %add3A : i32
    %mul3A_2 = arith.constant 5 : i32
    %mul3A_3 = arith.muli %add3A_1, %mul3A_2 : i32
    %add3A_4 = arith.addi %mul3A_3, %arg0 : i32
    %c0_i32 = arith.constant 0 : i32
    %c0_i32_5 = arith.constant 0 : i32
    return %add3A_4, %c0_i32 : i32, i32
  }
  func.func @transform_6(%arg0: i32, %arg1: i32) -> (i32, i32) {
    %mul3A = arith.constant 8 : i32
    %mul3A_0 = arith.muli %mul3A, %arg1 : i32
    %add3A = arith.constant 6 : i32
    %add3A_1 = arith.addi %mul3A_0, %add3A : i32
    %mul3A_2 = arith.constant 5 : i32
    %mul3A_3 = arith.muli %add3A_1, %mul3A_2 : i32
    %add3A_4 = arith.addi %mul3A_3, %arg0 : i32
    %c0_i32 = arith.constant 0 : i32
    %c0_i32_5 = arith.constant 0 : i32
    return %add3A_4, %c0_i32 : i32, i32
  }
  func.func @transform_7(%arg0: i32, %arg1: i32) -> (i32, i32) {
    %mul3A = arith.constant 8 : i32
    %mul3A_0 = arith.muli %mul3A, %arg1 : i32
    %add3A = arith.constant 7 : i32
    %add3A_1 = arith.addi %mul3A_0, %add3A : i32
    %mul3A_2 = arith.constant 5 : i32
    %mul3A_3 = arith.muli %add3A_1, %mul3A_2 : i32
    %add3A_4 = arith.addi %mul3A_3, %arg0 : i32
    %c0_i32 = arith.constant 0 : i32
    %c0_i32_5 = arith.constant 0 : i32
    return %add3A_4, %c0_i32 : i32, i32
  }
  func.func @transform_8(%arg0: i32, %arg1: i32) -> (i32, i32) {
    %c0_i32 = arith.constant 0 : i32
    %c0_i32_0 = arith.constant 0 : i32
    return %arg0, %c0_i32 : i32, i32
  }
  func.func @transform_9(%arg0: i32, %arg1: i32) -> (i32, i32) {
    %c0_i32 = arith.constant 0 : i32
    %c0_i32_0 = arith.constant 0 : i32
    %c0_i32_1 = arith.constant 0 : i32
    return %c0_i32, %c0_i32_0 : i32, i32
  }
  func.func @transform_10(%arg0: i32, %arg1: i32) -> (i32, i32) {
    %c0_i32 = arith.constant 0 : i32
    %c0_i32_0 = arith.constant 0 : i32
    %c0_i32_1 = arith.constant 0 : i32
    return %c0_i32, %c0_i32_0 : i32, i32
  }
  func.func @transform_11(%arg0: i32, %arg1: i32) -> (i32, i32) {
    %c0_i32 = arith.constant 0 : i32
    %c0_i32_0 = arith.constant 0 : i32
    %c0_i32_1 = arith.constant 0 : i32
    return %c0_i32, %c0_i32_0 : i32, i32
  }
  func.func @transform_12(%arg0: i32, %arg1: i32) -> (i32, i32) {
    %c0_i32 = arith.constant 0 : i32
    %c0_i32_0 = arith.constant 0 : i32
    %c0_i32_1 = arith.constant 0 : i32
    return %c0_i32, %c0_i32_0 : i32, i32
  }
  func.func @transform_13(%arg0: i32, %arg1: i32) -> (i32, i32) {
    %c0_i32 = arith.constant 0 : i32
    %c0_i32_0 = arith.constant 0 : i32
    %c0_i32_1 = arith.constant 0 : i32
    return %c0_i32, %c0_i32_0 : i32, i32
  }
  func.func @transform_14(%arg0: i32, %arg1: i32) -> (i32, i32) {
    %c0_i32 = arith.constant 0 : i32
    %c0_i32_0 = arith.constant 0 : i32
    %c0_i32_1 = arith.constant 0 : i32
    return %c0_i32, %c0_i32_0 : i32, i32
  }
  func.func @transform_15(%arg0: i32, %arg1: i32) -> (i32, i32) {
    %c0_i32 = arith.constant 0 : i32
    %c0_i32_0 = arith.constant 0 : i32
    %c0_i32_1 = arith.constant 0 : i32
    return %c0_i32, %c0_i32_0 : i32, i32
  }
  func.func @transform_16(%arg0: i32, %arg1: i32) -> (i32, i32) {
    %c0_i32 = arith.constant 0 : i32
    %c0_i32_0 = arith.constant 0 : i32
    %c0_i32_1 = arith.constant 0 : i32
    return %c0_i32, %c0_i32_0 : i32, i32
  }
  func.func @transform_17(%arg0: i32, %arg1: i32) -> (i32, i32) {
    %c0_i32 = arith.constant 0 : i32
    %c0_i32_0 = arith.constant 0 : i32
    return %arg0, %c0_i32 : i32, i32
  }
}

module attributes {stable_mosaic.version = 14 : i64} {
  func.func @_sage_body(%arg0: i32, %arg1: i32, %arg2: memref<2000x128xf32, #tpu.memory_space<vmem>>, %arg3: memref<2000x128xf32, #tpu.memory_space<vmem>>, %arg4: memref<2000x128xf32, #tpu.memory_space<vmem>>, %arg5: memref<2000x128xf32, #tpu.memory_space<vmem>>, %arg6: memref<2000x128xf32, #tpu.memory_space<vmem>>, %arg7: memref<2000x128xf32, #tpu.memory_space<vmem>>, %arg8: memref<2000x128xf32, #tpu.memory_space<vmem>>, %arg9: memref<2000x128xf32, #tpu.memory_space<vmem>>, %arg10: memref<2000x128xf32, #tpu.memory_space<vmem>>, %arg11: memref<128x512xbf16, #tpu.memory_space<vmem>>, %arg12: memref<128x512xbf16, #tpu.memory_space<vmem>>, %arg13: memref<1x512xf32, #tpu.memory_space<vmem>>, %arg14: memref<128x128xf32, #tpu.memory_space<vmem>>, %arg15: memref<128x128xf32, #tpu.memory_space<vmem>>, %arg16: memref<1x128xf32, #tpu.memory_space<vmem>>, %arg17: memref<1x128xf32, #tpu.memory_space<vmem>>, %arg18: memref<1x128xf32, #tpu.memory_space<vmem>>, %arg19: memref<2000x128xf32, #tpu.memory_space<vmem>>, %arg20: memref<2000x128xf32, #tpu.memory_space<vmem>>, %arg21: memref<2000x128xf32, #tpu.memory_space<vmem>>) attributes {dimension_semantics = [#tpu.dimension_semantics<arbitrary>, #tpu.dimension_semantics<arbitrary>], iteration_bounds = array<i64: 5, 4>, scalar_prefetch = 0 : i64, scratch_operands = 2 : i64, tpu.core_type = #tpu.core_type<tc>, window_params = [{transform_indices = @transform_0, window_bounds = array<i64: 2000, 128>}, {transform_indices = @transform_1, window_bounds = array<i64: 2000, 128>}, {transform_indices = @transform_2, window_bounds = array<i64: 2000, 128>}, {transform_indices = @transform_3, window_bounds = array<i64: 2000, 128>}, {transform_indices = @transform_4, window_bounds = array<i64: 2000, 128>}, {transform_indices = @transform_5, window_bounds = array<i64: 2000, 128>}, {transform_indices = @transform_6, window_bounds = array<i64: 2000, 128>}, {transform_indices = @transform_7, window_bounds = array<i64: 2000, 128>}, {transform_indices = @transform_8, window_bounds = array<i64: 2000, 128>}, {pipeline_mode = #tpu.pipeline_mode<synchronous>, transform_indices = @transform_9, window_bounds = array<i64: 128, 512>}, {pipeline_mode = #tpu.pipeline_mode<synchronous>, transform_indices = @transform_10, window_bounds = array<i64: 128, 512>}, {pipeline_mode = #tpu.pipeline_mode<synchronous>, transform_indices = @transform_11, window_bounds = array<i64: 1, 512>}, {pipeline_mode = #tpu.pipeline_mode<synchronous>, transform_indices = @transform_12, window_bounds = array<i64: 128, 128>}, {pipeline_mode = #tpu.pipeline_mode<synchronous>, transform_indices = @transform_13, window_bounds = array<i64: 128, 128>}, {pipeline_mode = #tpu.pipeline_mode<synchronous>, transform_indices = @transform_14, window_bounds = array<i64: 1, 128>}, {pipeline_mode = #tpu.pipeline_mode<synchronous>, transform_indices = @transform_15, window_bounds = array<i64: 1, 128>}, {pipeline_mode = #tpu.pipeline_mode<synchronous>, transform_indices = @transform_16, window_bounds = array<i64: 1, 128>}, {transform_indices = @transform_17, window_bounds = array<i64: 2000, 128>}]} {
    %eq3A = arith.constant 0 : i32
    %eq3A_0 = arith.cmpi eq, %arg1, %eq3A : i32
    %convert_element_type3A = arith.extui %eq3A_0 : i1 to i32
    %cond3A = arith.constant 0 : i32
    %cond3A_1 = arith.cmpi ne, %convert_element_type3A, %cond3A : i32
    scf.if %cond3A_1 {
      %broadcast_in_dim3A = arith.constant 0.000000e+00 : f32
      %broadcast_in_dim3A_356 = vector.broadcast %broadcast_in_dim3A : f32 to vector<2000x128xf32>
      %swap3A_357 = arith.constant 0 : index
      %swap3A_358 = arith.constant 0 : index
      %swap3A_359 = vector.load %arg20[%swap3A_357, %swap3A_358] : memref<2000x128xf32, #tpu.memory_space<vmem>>, vector<2000x128xf32>
      tpu.vector_store %arg20[%swap3A_357, %swap3A_358], %broadcast_in_dim3A_356 {strides = array<i32>} : memref<2000x128xf32, #tpu.memory_space<vmem>>, vector<2000x128xf32>,
      %broadcast_in_dim3A_360 = arith.constant 0.000000e+00 : f32
      %broadcast_in_dim3A_361 = vector.broadcast %broadcast_in_dim3A_360 : f32 to vector<2000x128xf32>
      %swap3A_362 = arith.constant 0 : index
      %swap3A_363 = arith.constant 0 : index
      %swap3A_364 = vector.load %arg21[%swap3A_362, %swap3A_363] : memref<2000x128xf32, #tpu.memory_space<vmem>>, vector<2000x128xf32>
      tpu.vector_store %arg21[%swap3A_362, %swap3A_363], %broadcast_in_dim3A_361 {strides = array<i32>} : memref<2000x128xf32, #tpu.memory_space<vmem>>, vector<2000x128xf32>,
    } else {
    }
    %get3A = arith.constant 0 : index
    %get3A_2 = arith.constant 0 : index
    %get3A_3 = vector.load %arg20[%get3A, %get3A_2] : memref<2000x128xf32, #tpu.memory_space<vmem>>, vector<2000x128xf32>
    %get3A_4 = arith.constant 0 : index
    %get3A_5 = arith.constant 0 : index
    %get3A_6 = vector.load %arg21[%get3A_4, %get3A_5] : memref<2000x128xf32, #tpu.memory_space<vmem>>, vector<2000x128xf32>
    %get3A_7 = arith.constant 0 : index
    %get3A_8 = arith.constant 0 : index
    %get3A_9 = vector.load %arg2[%get3A_7, %get3A_8] : memref<2000x128xf32, #tpu.memory_space<vmem>>, vector<2000x128xf32>
    %convert_element_type3A_10 = arith.truncf %get3A_9 : vector<2000x128xf32> to vector<2000x128xbf16>
    %get3A_11 = arith.constant 0 : index
    %get3A_12 = arith.constant 0 : index
    %get3A_13 = vector.load %arg11[%get3A_11, %get3A_12] : memref<128x512xbf16, #tpu.memory_space<vmem>>, vector<128x512xbf16>
    %dot_general3A = arith.constant dense<0.000000e+00> : vector<2000x512xf32>
    %dot_general3A_14 = tpu.matmul %convert_element_type3A_10, %get3A_13, %dot_general3A {dimension_numbers = #tpu.dot_dimension_numbers<[1], [0], [0], [1], [0, 0, 1, 1], [], []>, transpose_lhs_hint = false} : vector<2000x128xbf16>, vector<128x512xbf16>, vector<2000x512xf32> -> vector<2000x512xf32>
    %convert_element_type3A_15 = arith.truncf %get3A_3 : vector<2000x128xf32> to vector<2000x128xbf16>
    %get3A_16 = arith.constant 0 : index
    %get3A_17 = arith.constant 0 : index
    %get3A_18 = vector.load %arg12[%get3A_16, %get3A_17] : memref<128x512xbf16, #tpu.memory_space<vmem>>, vector<128x512xbf16>
    %dot_general3A_19 = arith.constant dense<0.000000e+00> : vector<2000x512xf32>
    %dot_general3A_20 = tpu.matmul %convert_element_type3A_15, %get3A_18, %dot_general3A_19 {dimension_numbers = #tpu.dot_dimension_numbers<[1], [0], [0], [1], [0, 0, 1, 1], [], []>, transpose_lhs_hint = false} : vector<2000x128xbf16>, vector<128x512xbf16>, vector<2000x512xf32> -> vector<2000x512xf32>
    %add3A = arith.addf %dot_general3A_14, %dot_general3A_20 : vector<2000x512xf32>
    %get3A_21 = arith.constant 0 : index
    %get3A_22 = arith.constant 0 : index
    %get3A_23 = vector.load %arg13[%get3A_21, %get3A_22] : memref<1x512xf32, #tpu.memory_space<vmem>>, vector<1x512xf32>
    %add3A_24 = vector.broadcast %get3A_23 : vector<1x512xf32> to vector<2000x512xf32>
    %add3A_25 = arith.addf %add3A, %add3A_24 : vector<2000x512xf32>
    %slice3A = vector.extract_strided_slice %add3A_25 {offsets = [0, 0], sizes = [2000, 128], strides = [1, 1]} : vector<2000x512xf32> to vector<2000x128xf32>
    %tanh3A = math.tanh %slice3A : vector<2000x128xf32>
    %slice3A_26 = vector.extract_strided_slice %add3A_25 {offsets = [0, 128], sizes = [2000, 128], strides = [1, 1]} : vector<2000x512xf32> to vector<2000x128xf32>
    %tanh3A_27 = math.tanh %slice3A_26 : vector<2000x128xf32>
    %slice3A_28 = vector.extract_strided_slice %add3A_25 {offsets = [0, 256], sizes = [2000, 128], strides = [1, 1]} : vector<2000x512xf32> to vector<2000x128xf32>
    %tanh3A_29 = math.tanh %slice3A_28 : vector<2000x128xf32>
    %slice3A_30 = vector.extract_strided_slice %add3A_25 {offsets = [0, 384], sizes = [2000, 128], strides = [1, 1]} : vector<2000x512xf32> to vector<2000x128xf32>
    %tanh3A_31 = math.tanh %slice3A_30 : vector<2000x128xf32>
    %mul3A = arith.mulf %tanh3A_27, %get3A_6 : vector<2000x128xf32>
    %add3A_32 = arith.addf %mul3A, %get3A_6 : vector<2000x128xf32>
    %mul3A_33 = arith.mulf %tanh3A, %tanh3A_29 : vector<2000x128xf32>
    %add3A_34 = arith.addf %add3A_32, %mul3A_33 : vector<2000x128xf32>
    %add3A_35 = arith.addf %add3A_34, %tanh3A_29 : vector<2000x128xf32>
    %mul3A_36 = arith.constant 5.000000e-01 : f32
    %mul3A_37 = vector.broadcast %mul3A_36 : f32 to vector<2000x128xf32>
    %mul3A_38 = arith.mulf %mul3A_37, %add3A_35 : vector<2000x128xf32>
    %tanh3A_39 = math.tanh %mul3A_38 : vector<2000x128xf32>
    %mul3A_40 = arith.mulf %tanh3A_31, %tanh3A_39 : vector<2000x128xf32>
    %add3A_41 = arith.addf %mul3A_40, %tanh3A_39 : vector<2000x128xf32>
    %mul3A_42 = arith.constant 5.000000e-01 : f32
    %mul3A_43 = vector.broadcast %mul3A_42 : f32 to vector<2000x128xf32>
    %mul3A_44 = arith.mulf %mul3A_43, %add3A_41 : vector<2000x128xf32>
    %get3A_45 = arith.constant 0 : index
    %get3A_46 = arith.constant 0 : index
    %get3A_47 = vector.load %arg3[%get3A_45, %get3A_46] : memref<2000x128xf32, #tpu.memory_space<vmem>>, vector<2000x128xf32>
    %convert_element_type3A_48 = arith.truncf %get3A_47 : vector<2000x128xf32> to vector<2000x128xbf16>
    %get3A_49 = arith.constant 0 : index
    %get3A_50 = arith.constant 0 : index
    %get3A_51 = vector.load %arg11[%get3A_49, %get3A_50] : memref<128x512xbf16, #tpu.memory_space<vmem>>, vector<128x512xbf16>
    %dot_general3A_52 = arith.constant dense<0.000000e+00> : vector<2000x512xf32>
    %dot_general3A_53 = tpu.matmul %convert_element_type3A_48, %get3A_51, %dot_general3A_52 {dimension_numbers = #tpu.dot_dimension_numbers<[1], [0], [0], [1], [0, 0, 1, 1], [], []>, transpose_lhs_hint = false} : vector<2000x128xbf16>, vector<128x512xbf16>, vector<2000x512xf32> -> vector<2000x512xf32>
    %convert_element_type3A_54 = arith.truncf %mul3A_44 : vector<2000x128xf32> to vector<2000x128xbf16>
    %get3A_55 = arith.constant 0 : index
    %get3A_56 = arith.constant 0 : index
    %get3A_57 = vector.load %arg12[%get3A_55, %get3A_56] : memref<128x512xbf16, #tpu.memory_space<vmem>>, vector<128x512xbf16>
    %dot_general3A_58 = arith.constant dense<0.000000e+00> : vector<2000x512xf32>
    %dot_general3A_59 = tpu.matmul %convert_element_type3A_54, %get3A_57, %dot_general3A_58 {dimension_numbers = #tpu.dot_dimension_numbers<[1], [0], [0], [1], [0, 0, 1, 1], [], []>, transpose_lhs_hint = false} : vector<2000x128xbf16>, vector<128x512xbf16>, vector<2000x512xf32> -> vector<2000x512xf32>
    %add3A_60 = arith.addf %dot_general3A_53, %dot_general3A_59 : vector<2000x512xf32>
    %get3A_61 = arith.constant 0 : index
    %get3A_62 = arith.constant 0 : index
    %get3A_63 = vector.load %arg13[%get3A_61, %get3A_62] : memref<1x512xf32, #tpu.memory_space<vmem>>, vector<1x512xf32>
    %add3A_64 = vector.broadcast %get3A_63 : vector<1x512xf32> to vector<2000x512xf32>
    %add3A_65 = arith.addf %add3A_60, %add3A_64 : vector<2000x512xf32>
    %slice3A_66 = vector.extract_strided_slice %add3A_65 {offsets = [0, 0], sizes = [2000, 128], strides = [1, 1]} : vector<2000x512xf32> to vector<2000x128xf32>
    %tanh3A_67 = math.tanh %slice3A_66 : vector<2000x128xf32>
    %slice3A_68 = vector.extract_strided_slice %add3A_65 {offsets = [0, 128], sizes = [2000, 128], strides = [1, 1]} : vector<2000x512xf32> to vector<2000x128xf32>
    %tanh3A_69 = math.tanh %slice3A_68 : vector<2000x128xf32>
    %slice3A_70 = vector.extract_strided_slice %add3A_65 {offsets = [0, 256], sizes = [2000, 128], strides = [1, 1]} : vector<2000x512xf32> to vector<2000x128xf32>
    %tanh3A_71 = math.tanh %slice3A_70 : vector<2000x128xf32>
    %slice3A_72 = vector.extract_strided_slice %add3A_65 {offsets = [0, 384], sizes = [2000, 128], strides = [1, 1]} : vector<2000x512xf32> to vector<2000x128xf32>
    %tanh3A_73 = math.tanh %slice3A_72 : vector<2000x128xf32>
    %mul3A_74 = arith.mulf %tanh3A_69, %mul3A_38 : vector<2000x128xf32>
    %add3A_75 = arith.addf %mul3A_74, %mul3A_38 : vector<2000x128xf32>
    %mul3A_76 = arith.mulf %tanh3A_67, %tanh3A_71 : vector<2000x128xf32>
    %add3A_77 = arith.addf %add3A_75, %mul3A_76 : vector<2000x128xf32>
    %add3A_78 = arith.addf %add3A_77, %tanh3A_71 : vector<2000x128xf32>
    %mul3A_79 = arith.constant 5.000000e-01 : f32
    %mul3A_80 = vector.broadcast %mul3A_79 : f32 to vector<2000x128xf32>
    %mul3A_81 = arith.mulf %mul3A_80, %add3A_78 : vector<2000x128xf32>
    %tanh3A_82 = math.tanh %mul3A_81 : vector<2000x128xf32>
    %mul3A_83 = arith.mulf %tanh3A_73, %tanh3A_82 : vector<2000x128xf32>
    %add3A_84 = arith.addf %mul3A_83, %tanh3A_82 : vector<2000x128xf32>
    %mul3A_85 = arith.constant 5.000000e-01 : f32
    %mul3A_86 = vector.broadcast %mul3A_85 : f32 to vector<2000x128xf32>
    %mul3A_87 = arith.mulf %mul3A_86, %add3A_84 : vector<2000x128xf32>
    %get3A_88 = arith.constant 0 : index
    %get3A_89 = arith.constant 0 : index
    %get3A_90 = vector.load %arg4[%get3A_88, %get3A_89] : memref<2000x128xf32, #tpu.memory_space<vmem>>, vector<2000x128xf32>
    %convert_element_type3A_91 = arith.truncf %get3A_90 : vector<2000x128xf32> to vector<2000x128xbf16>
    %get3A_92 = arith.constant 0 : index
    %get3A_93 = arith.constant 0 : index
    %get3A_94 = vector.load %arg11[%get3A_92, %get3A_93] : memref<128x512xbf16, #tpu.memory_space<vmem>>, vector<128x512xbf16>
    %dot_general3A_95 = arith.constant dense<0.000000e+00> : vector<2000x512xf32>
    %dot_general3A_96 = tpu.matmul %convert_element_type3A_91, %get3A_94, %dot_general3A_95 {dimension_numbers = #tpu.dot_dimension_numbers<[1], [0], [0], [1], [0, 0, 1, 1], [], []>, transpose_lhs_hint = false} : vector<2000x128xbf16>, vector<128x512xbf16>, vector<2000x512xf32> -> vector<2000x512xf32>
    %convert_element_type3A_97 = arith.truncf %mul3A_87 : vector<2000x128xf32> to vector<2000x128xbf16>
    %get3A_98 = arith.constant 0 : index
    %get3A_99 = arith.constant 0 : index
    %get3A_100 = vector.load %arg12[%get3A_98, %get3A_99] : memref<128x512xbf16, #tpu.memory_space<vmem>>, vector<128x512xbf16>
    %dot_general3A_101 = arith.constant dense<0.000000e+00> : vector<2000x512xf32>
    %dot_general3A_102 = tpu.matmul %convert_element_type3A_97, %get3A_100, %dot_general3A_101 {dimension_numbers = #tpu.dot_dimension_numbers<[1], [0], [0], [1], [0, 0, 1, 1], [], []>, transpose_lhs_hint = false} : vector<2000x128xbf16>, vector<128x512xbf16>, vector<2000x512xf32> -> vector<2000x512xf32>
    %add3A_103 = arith.addf %dot_general3A_96, %dot_general3A_102 : vector<2000x512xf32>
    %get3A_104 = arith.constant 0 : index
    %get3A_105 = arith.constant 0 : index
    %get3A_106 = vector.load %arg13[%get3A_104, %get3A_105] : memref<1x512xf32, #tpu.memory_space<vmem>>, vector<1x512xf32>
    %add3A_107 = vector.broadcast %get3A_106 : vector<1x512xf32> to vector<2000x512xf32>
    %add3A_108 = arith.addf %add3A_103, %add3A_107 : vector<2000x512xf32>
    %slice3A_109 = vector.extract_strided_slice %add3A_108 {offsets = [0, 0], sizes = [2000, 128], strides = [1, 1]} : vector<2000x512xf32> to vector<2000x128xf32>
    %tanh3A_110 = math.tanh %slice3A_109 : vector<2000x128xf32>
    %slice3A_111 = vector.extract_strided_slice %add3A_108 {offsets = [0, 128], sizes = [2000, 128], strides = [1, 1]} : vector<2000x512xf32> to vector<2000x128xf32>
    %tanh3A_112 = math.tanh %slice3A_111 : vector<2000x128xf32>
    %slice3A_113 = vector.extract_strided_slice %add3A_108 {offsets = [0, 256], sizes = [2000, 128], strides = [1, 1]} : vector<2000x512xf32> to vector<2000x128xf32>
    %tanh3A_114 = math.tanh %slice3A_113 : vector<2000x128xf32>
    %slice3A_115 = vector.extract_strided_slice %add3A_108 {offsets = [0, 384], sizes = [2000, 128], strides = [1, 1]} : vector<2000x512xf32> to vector<2000x128xf32>
    %tanh3A_116 = math.tanh %slice3A_115 : vector<2000x128xf32>
    %mul3A_117 = arith.mulf %tanh3A_112, %mul3A_81 : vector<2000x128xf32>
    %add3A_118 = arith.addf %mul3A_117, %mul3A_81 : vector<2000x128xf32>
    %mul3A_119 = arith.mulf %tanh3A_110, %tanh3A_114 : vector<2000x128xf32>
    %add3A_120 = arith.addf %add3A_118, %mul3A_119 : vector<2000x128xf32>
    %add3A_121 = arith.addf %add3A_120, %tanh3A_114 : vector<2000x128xf32>
    %mul3A_122 = arith.constant 5.000000e-01 : f32
    %mul3A_123 = vector.broadcast %mul3A_122 : f32 to vector<2000x128xf32>
    %mul3A_124 = arith.mulf %mul3A_123, %add3A_121 : vector<2000x128xf32>
    %tanh3A_125 = math.tanh %mul3A_124 : vector<2000x128xf32>
    %mul3A_126 = arith.mulf %tanh3A_116, %tanh3A_125 : vector<2000x128xf32>
    %add3A_127 = arith.addf %mul3A_126, %tanh3A_125 : vector<2000x128xf32>
    %mul3A_128 = arith.constant 5.000000e-01 : f32
    %mul3A_129 = vector.broadcast %mul3A_128 : f32 to vector<2000x128xf32>
    %mul3A_130 = arith.mulf %mul3A_129, %add3A_127 : vector<2000x128xf32>
    %get3A_131 = arith.constant 0 : index
    %get3A_132 = arith.constant 0 : index
    %get3A_133 = vector.load %arg5[%get3A_131, %get3A_132] : memref<2000x128xf32, #tpu.memory_space<vmem>>, vector<2000x128xf32>
    %convert_element_type3A_134 = arith.truncf %get3A_133 : vector<2000x128xf32> to vector<2000x128xbf16>
    %get3A_135 = arith.constant 0 : index
    %get3A_136 = arith.constant 0 : index
    %get3A_137 = vector.load %arg11[%get3A_135, %get3A_136] : memref<128x512xbf16, #tpu.memory_space<vmem>>, vector<128x512xbf16>
    %dot_general3A_138 = arith.constant dense<0.000000e+00> : vector<2000x512xf32>
    %dot_general3A_139 = tpu.matmul %convert_element_type3A_134, %get3A_137, %dot_general3A_138 {dimension_numbers = #tpu.dot_dimension_numbers<[1], [0], [0], [1], [0, 0, 1, 1], [], []>, transpose_lhs_hint = false} : vector<2000x128xbf16>, vector<128x512xbf16>, vector<2000x512xf32> -> vector<2000x512xf32>
    %convert_element_type3A_140 = arith.truncf %mul3A_130 : vector<2000x128xf32> to vector<2000x128xbf16>
    %get3A_141 = arith.constant 0 : index
    %get3A_142 = arith.constant 0 : index
    %get3A_143 = vector.load %arg12[%get3A_141, %get3A_142] : memref<128x512xbf16, #tpu.memory_space<vmem>>, vector<128x512xbf16>
    %dot_general3A_144 = arith.constant dense<0.000000e+00> : vector<2000x512xf32>
    %dot_general3A_145 = tpu.matmul %convert_element_type3A_140, %get3A_143, %dot_general3A_144 {dimension_numbers = #tpu.dot_dimension_numbers<[1], [0], [0], [1], [0, 0, 1, 1], [], []>, transpose_lhs_hint = false} : vector<2000x128xbf16>, vector<128x512xbf16>, vector<2000x512xf32> -> vector<2000x512xf32>
    %add3A_146 = arith.addf %dot_general3A_139, %dot_general3A_145 : vector<2000x512xf32>
    %get3A_147 = arith.constant 0 : index
    %get3A_148 = arith.constant 0 : index
    %get3A_149 = vector.load %arg13[%get3A_147, %get3A_148] : memref<1x512xf32, #tpu.memory_space<vmem>>, vector<1x512xf32>
    %add3A_150 = vector.broadcast %get3A_149 : vector<1x512xf32> to vector<2000x512xf32>
    %add3A_151 = arith.addf %add3A_146, %add3A_150 : vector<2000x512xf32>
    %slice3A_152 = vector.extract_strided_slice %add3A_151 {offsets = [0, 0], sizes = [2000, 128], strides = [1, 1]} : vector<2000x512xf32> to vector<2000x128xf32>
    %tanh3A_153 = math.tanh %slice3A_152 : vector<2000x128xf32>
    %slice3A_154 = vector.extract_strided_slice %add3A_151 {offsets = [0, 128], sizes = [2000, 128], strides = [1, 1]} : vector<2000x512xf32> to vector<2000x128xf32>
    %tanh3A_155 = math.tanh %slice3A_154 : vector<2000x128xf32>
    %slice3A_156 = vector.extract_strided_slice %add3A_151 {offsets = [0, 256], sizes = [2000, 128], strides = [1, 1]} : vector<2000x512xf32> to vector<2000x128xf32>
    %tanh3A_157 = math.tanh %slice3A_156 : vector<2000x128xf32>
    %slice3A_158 = vector.extract_strided_slice %add3A_151 {offsets = [0, 384], sizes = [2000, 128], strides = [1, 1]} : vector<2000x512xf32> to vector<2000x128xf32>
    %tanh3A_159 = math.tanh %slice3A_158 : vector<2000x128xf32>
    %mul3A_160 = arith.mulf %tanh3A_155, %mul3A_124 : vector<2000x128xf32>
    %add3A_161 = arith.addf %mul3A_160, %mul3A_124 : vector<2000x128xf32>
    %mul3A_162 = arith.mulf %tanh3A_153, %tanh3A_157 : vector<2000x128xf32>
    %add3A_163 = arith.addf %add3A_161, %mul3A_162 : vector<2000x128xf32>
    %add3A_164 = arith.addf %add3A_163, %tanh3A_157 : vector<2000x128xf32>
    %mul3A_165 = arith.constant 5.000000e-01 : f32
    %mul3A_166 = vector.broadcast %mul3A_165 : f32 to vector<2000x128xf32>
    %mul3A_167 = arith.mulf %mul3A_166, %add3A_164 : vector<2000x128xf32>
    %tanh3A_168 = math.tanh %mul3A_167 : vector<2000x128xf32>
    %mul3A_169 = arith.mulf %tanh3A_159, %tanh3A_168 : vector<2000x128xf32>
    %add3A_170 = arith.addf %mul3A_169, %tanh3A_168 : vector<2000x128xf32>
    %mul3A_171 = arith.constant 5.000000e-01 : f32
    %mul3A_172 = vector.broadcast %mul3A_171 : f32 to vector<2000x128xf32>
    %mul3A_173 = arith.mulf %mul3A_172, %add3A_170 : vector<2000x128xf32>
    %get3A_174 = arith.constant 0 : index
    %get3A_175 = arith.constant 0 : index
    %get3A_176 = vector.load %arg6[%get3A_174, %get3A_175] : memref<2000x128xf32, #tpu.memory_space<vmem>>, vector<2000x128xf32>
    %convert_element_type3A_177 = arith.truncf %get3A_176 : vector<2000x128xf32> to vector<2000x128xbf16>
    %get3A_178 = arith.constant 0 : index
    %get3A_179 = arith.constant 0 : index
    %get3A_180 = vector.load %arg11[%get3A_178, %get3A_179] : memref<128x512xbf16, #tpu.memory_space<vmem>>, vector<128x512xbf16>
    %dot_general3A_181 = arith.constant dense<0.000000e+00> : vector<2000x512xf32>
    %dot_general3A_182 = tpu.matmul %convert_element_type3A_177, %get3A_180, %dot_general3A_181 {dimension_numbers = #tpu.dot_dimension_numbers<[1], [0], [0], [1], [0, 0, 1, 1], [], []>, transpose_lhs_hint = false} : vector<2000x128xbf16>, vector<128x512xbf16>, vector<2000x512xf32> -> vector<2000x512xf32>
    %convert_element_type3A_183 = arith.truncf %mul3A_173 : vector<2000x128xf32> to vector<2000x128xbf16>
    %get3A_184 = arith.constant 0 : index
    %get3A_185 = arith.constant 0 : index
    %get3A_186 = vector.load %arg12[%get3A_184, %get3A_185] : memref<128x512xbf16, #tpu.memory_space<vmem>>, vector<128x512xbf16>
    %dot_general3A_187 = arith.constant dense<0.000000e+00> : vector<2000x512xf32>
    %dot_general3A_188 = tpu.matmul %convert_element_type3A_183, %get3A_186, %dot_general3A_187 {dimension_numbers = #tpu.dot_dimension_numbers<[1], [0], [0], [1], [0, 0, 1, 1], [], []>, transpose_lhs_hint = false} : vector<2000x128xbf16>, vector<128x512xbf16>, vector<2000x512xf32> -> vector<2000x512xf32>
    %add3A_189 = arith.addf %dot_general3A_182, %dot_general3A_188 : vector<2000x512xf32>
    %get3A_190 = arith.constant 0 : index
    %get3A_191 = arith.constant 0 : index
    %get3A_192 = vector.load %arg13[%get3A_190, %get3A_191] : memref<1x512xf32, #tpu.memory_space<vmem>>, vector<1x512xf32>
    %add3A_193 = vector.broadcast %get3A_192 : vector<1x512xf32> to vector<2000x512xf32>
    %add3A_194 = arith.addf %add3A_189, %add3A_193 : vector<2000x512xf32>
    %slice3A_195 = vector.extract_strided_slice %add3A_194 {offsets = [0, 0], sizes = [2000, 128], strides = [1, 1]} : vector<2000x512xf32> to vector<2000x128xf32>
    %tanh3A_196 = math.tanh %slice3A_195 : vector<2000x128xf32>
    %slice3A_197 = vector.extract_strided_slice %add3A_194 {offsets = [0, 128], sizes = [2000, 128], strides = [1, 1]} : vector<2000x512xf32> to vector<2000x128xf32>
    %tanh3A_198 = math.tanh %slice3A_197 : vector<2000x128xf32>
    %slice3A_199 = vector.extract_strided_slice %add3A_194 {offsets = [0, 256], sizes = [2000, 128], strides = [1, 1]} : vector<2000x512xf32> to vector<2000x128xf32>
    %tanh3A_200 = math.tanh %slice3A_199 : vector<2000x128xf32>
    %slice3A_201 = vector.extract_strided_slice %add3A_194 {offsets = [0, 384], sizes = [2000, 128], strides = [1, 1]} : vector<2000x512xf32> to vector<2000x128xf32>
    %tanh3A_202 = math.tanh %slice3A_201 : vector<2000x128xf32>
    %mul3A_203 = arith.mulf %tanh3A_198, %mul3A_167 : vector<2000x128xf32>
    %add3A_204 = arith.addf %mul3A_203, %mul3A_167 : vector<2000x128xf32>
    %mul3A_205 = arith.mulf %tanh3A_196, %tanh3A_200 : vector<2000x128xf32>
    %add3A_206 = arith.addf %add3A_204, %mul3A_205 : vector<2000x128xf32>
    %add3A_207 = arith.addf %add3A_206, %tanh3A_200 : vector<2000x128xf32>
    %mul3A_208 = arith.constant 5.000000e-01 : f32
    %mul3A_209 = vector.broadcast %mul3A_208 : f32 to vector<2000x128xf32>
    %mul3A_210 = arith.mulf %mul3A_209, %add3A_207 : vector<2000x128xf32>
    %tanh3A_211 = math.tanh %mul3A_210 : vector<2000x128xf32>
    %mul3A_212 = arith.mulf %tanh3A_202, %tanh3A_211 : vector<2000x128xf32>
    %add3A_213 = arith.addf %mul3A_212, %tanh3A_211 : vector<2000x128xf32>
    %mul3A_214 = arith.constant 5.000000e-01 : f32
    %mul3A_215 = vector.broadcast %mul3A_214 : f32 to vector<2000x128xf32>
    %mul3A_216 = arith.mulf %mul3A_215, %add3A_213 : vector<2000x128xf32>
    %get3A_217 = arith.constant 0 : index
    %get3A_218 = arith.constant 0 : index
    %get3A_219 = vector.load %arg7[%get3A_217, %get3A_218] : memref<2000x128xf32, #tpu.memory_space<vmem>>, vector<2000x128xf32>
    %convert_element_type3A_220 = arith.truncf %get3A_219 : vector<2000x128xf32> to vector<2000x128xbf16>
    %get3A_221 = arith.constant 0 : index
    %get3A_222 = arith.constant 0 : index
    %get3A_223 = vector.load %arg11[%get3A_221, %get3A_222] : memref<128x512xbf16, #tpu.memory_space<vmem>>, vector<128x512xbf16>
    %dot_general3A_224 = arith.constant dense<0.000000e+00> : vector<2000x512xf32>
    %dot_general3A_225 = tpu.matmul %convert_element_type3A_220, %get3A_223, %dot_general3A_224 {dimension_numbers = #tpu.dot_dimension_numbers<[1], [0], [0], [1], [0, 0, 1, 1], [], []>, transpose_lhs_hint = false} : vector<2000x128xbf16>, vector<128x512xbf16>, vector<2000x512xf32> -> vector<2000x512xf32>
    %convert_element_type3A_226 = arith.truncf %mul3A_216 : vector<2000x128xf32> to vector<2000x128xbf16>
    %get3A_227 = arith.constant 0 : index
    %get3A_228 = arith.constant 0 : index
    %get3A_229 = vector.load %arg12[%get3A_227, %get3A_228] : memref<128x512xbf16, #tpu.memory_space<vmem>>, vector<128x512xbf16>
    %dot_general3A_230 = arith.constant dense<0.000000e+00> : vector<2000x512xf32>
    %dot_general3A_231 = tpu.matmul %convert_element_type3A_226, %get3A_229, %dot_general3A_230 {dimension_numbers = #tpu.dot_dimension_numbers<[1], [0], [0], [1], [0, 0, 1, 1], [], []>, transpose_lhs_hint = false} : vector<2000x128xbf16>, vector<128x512xbf16>, vector<2000x512xf32> -> vector<2000x512xf32>
    %add3A_232 = arith.addf %dot_general3A_225, %dot_general3A_231 : vector<2000x512xf32>
    %get3A_233 = arith.constant 0 : index
    %get3A_234 = arith.constant 0 : index
    %get3A_235 = vector.load %arg13[%get3A_233, %get3A_234] : memref<1x512xf32, #tpu.memory_space<vmem>>, vector<1x512xf32>
    %add3A_236 = vector.broadcast %get3A_235 : vector<1x512xf32> to vector<2000x512xf32>
    %add3A_237 = arith.addf %add3A_232, %add3A_236 : vector<2000x512xf32>
    %slice3A_238 = vector.extract_strided_slice %add3A_237 {offsets = [0, 0], sizes = [2000, 128], strides = [1, 1]} : vector<2000x512xf32> to vector<2000x128xf32>
    %tanh3A_239 = math.tanh %slice3A_238 : vector<2000x128xf32>
    %slice3A_240 = vector.extract_strided_slice %add3A_237 {offsets = [0, 128], sizes = [2000, 128], strides = [1, 1]} : vector<2000x512xf32> to vector<2000x128xf32>
    %tanh3A_241 = math.tanh %slice3A_240 : vector<2000x128xf32>
    %slice3A_242 = vector.extract_strided_slice %add3A_237 {offsets = [0, 256], sizes = [2000, 128], strides = [1, 1]} : vector<2000x512xf32> to vector<2000x128xf32>
    %tanh3A_243 = math.tanh %slice3A_242 : vector<2000x128xf32>
    %slice3A_244 = vector.extract_strided_slice %add3A_237 {offsets = [0, 384], sizes = [2000, 128], strides = [1, 1]} : vector<2000x512xf32> to vector<2000x128xf32>
    %tanh3A_245 = math.tanh %slice3A_244 : vector<2000x128xf32>
    %mul3A_246 = arith.mulf %tanh3A_241, %mul3A_210 : vector<2000x128xf32>
    %add3A_247 = arith.addf %mul3A_246, %mul3A_210 : vector<2000x128xf32>
    %mul3A_248 = arith.mulf %tanh3A_239, %tanh3A_243 : vector<2000x128xf32>
    %add3A_249 = arith.addf %add3A_247, %mul3A_248 : vector<2000x128xf32>
    %add3A_250 = arith.addf %add3A_249, %tanh3A_243 : vector<2000x128xf32>
    %mul3A_251 = arith.constant 5.000000e-01 : f32
    %mul3A_252 = vector.broadcast %mul3A_251 : f32 to vector<2000x128xf32>
    %mul3A_253 = arith.mulf %mul3A_252, %add3A_250 : vector<2000x128xf32>
    %tanh3A_254 = math.tanh %mul3A_253 : vector<2000x128xf32>
    %mul3A_255 = arith.mulf %tanh3A_245, %tanh3A_254 : vector<2000x128xf32>
    %add3A_256 = arith.addf %mul3A_255, %tanh3A_254 : vector<2000x128xf32>
    %mul3A_257 = arith.constant 5.000000e-01 : f32
    %mul3A_258 = vector.broadcast %mul3A_257 : f32 to vector<2000x128xf32>
    %mul3A_259 = arith.mulf %mul3A_258, %add3A_256 : vector<2000x128xf32>
    %get3A_260 = arith.constant 0 : index
    %get3A_261 = arith.constant 0 : index
    %get3A_262 = vector.load %arg8[%get3A_260, %get3A_261] : memref<2000x128xf32, #tpu.memory_space<vmem>>, vector<2000x128xf32>
    %convert_element_type3A_263 = arith.truncf %get3A_262 : vector<2000x128xf32> to vector<2000x128xbf16>
    %get3A_264 = arith.constant 0 : index
    %get3A_265 = arith.constant 0 : index
    %get3A_266 = vector.load %arg11[%get3A_264, %get3A_265] : memref<128x512xbf16, #tpu.memory_space<vmem>>, vector<128x512xbf16>
    %dot_general3A_267 = arith.constant dense<0.000000e+00> : vector<2000x512xf32>
    %dot_general3A_268 = tpu.matmul %convert_element_type3A_263, %get3A_266, %dot_general3A_267 {dimension_numbers = #tpu.dot_dimension_numbers<[1], [0], [0], [1], [0, 0, 1, 1], [], []>, transpose_lhs_hint = false} : vector<2000x128xbf16>, vector<128x512xbf16>, vector<2000x512xf32> -> vector<2000x512xf32>
    %convert_element_type3A_269 = arith.truncf %mul3A_259 : vector<2000x128xf32> to vector<2000x128xbf16>
    %get3A_270 = arith.constant 0 : index
    %get3A_271 = arith.constant 0 : index
    %get3A_272 = vector.load %arg12[%get3A_270, %get3A_271] : memref<128x512xbf16, #tpu.memory_space<vmem>>, vector<128x512xbf16>
    %dot_general3A_273 = arith.constant dense<0.000000e+00> : vector<2000x512xf32>
    %dot_general3A_274 = tpu.matmul %convert_element_type3A_269, %get3A_272, %dot_general3A_273 {dimension_numbers = #tpu.dot_dimension_numbers<[1], [0], [0], [1], [0, 0, 1, 1], [], []>, transpose_lhs_hint = false} : vector<2000x128xbf16>, vector<128x512xbf16>, vector<2000x512xf32> -> vector<2000x512xf32>
    %add3A_275 = arith.addf %dot_general3A_268, %dot_general3A_274 : vector<2000x512xf32>
    %get3A_276 = arith.constant 0 : index
    %get3A_277 = arith.constant 0 : index
    %get3A_278 = vector.load %arg13[%get3A_276, %get3A_277] : memref<1x512xf32, #tpu.memory_space<vmem>>, vector<1x512xf32>
    %add3A_279 = vector.broadcast %get3A_278 : vector<1x512xf32> to vector<2000x512xf32>
    %add3A_280 = arith.addf %add3A_275, %add3A_279 : vector<2000x512xf32>
    %slice3A_281 = vector.extract_strided_slice %add3A_280 {offsets = [0, 0], sizes = [2000, 128], strides = [1, 1]} : vector<2000x512xf32> to vector<2000x128xf32>
    %tanh3A_282 = math.tanh %slice3A_281 : vector<2000x128xf32>
    %slice3A_283 = vector.extract_strided_slice %add3A_280 {offsets = [0, 128], sizes = [2000, 128], strides = [1, 1]} : vector<2000x512xf32> to vector<2000x128xf32>
    %tanh3A_284 = math.tanh %slice3A_283 : vector<2000x128xf32>
    %slice3A_285 = vector.extract_strided_slice %add3A_280 {offsets = [0, 256], sizes = [2000, 128], strides = [1, 1]} : vector<2000x512xf32> to vector<2000x128xf32>
    %tanh3A_286 = math.tanh %slice3A_285 : vector<2000x128xf32>
    %slice3A_287 = vector.extract_strided_slice %add3A_280 {offsets = [0, 384], sizes = [2000, 128], strides = [1, 1]} : vector<2000x512xf32> to vector<2000x128xf32>
    %tanh3A_288 = math.tanh %slice3A_287 : vector<2000x128xf32>
    %mul3A_289 = arith.mulf %tanh3A_284, %mul3A_253 : vector<2000x128xf32>
    %add3A_290 = arith.addf %mul3A_289, %mul3A_253 : vector<2000x128xf32>
    %mul3A_291 = arith.mulf %tanh3A_282, %tanh3A_286 : vector<2000x128xf32>
    %add3A_292 = arith.addf %add3A_290, %mul3A_291 : vector<2000x128xf32>
    %add3A_293 = arith.addf %add3A_292, %tanh3A_286 : vector<2000x128xf32>
    %mul3A_294 = arith.constant 5.000000e-01 : f32
    %mul3A_295 = vector.broadcast %mul3A_294 : f32 to vector<2000x128xf32>
    %mul3A_296 = arith.mulf %mul3A_295, %add3A_293 : vector<2000x128xf32>
    %tanh3A_297 = math.tanh %mul3A_296 : vector<2000x128xf32>
    %mul3A_298 = arith.mulf %tanh3A_288, %tanh3A_297 : vector<2000x128xf32>
    %add3A_299 = arith.addf %mul3A_298, %tanh3A_297 : vector<2000x128xf32>
    %mul3A_300 = arith.constant 5.000000e-01 : f32
    %mul3A_301 = vector.broadcast %mul3A_300 : f32 to vector<2000x128xf32>
    %mul3A_302 = arith.mulf %mul3A_301, %add3A_299 : vector<2000x128xf32>
    %get3A_303 = arith.constant 0 : index
    %get3A_304 = arith.constant 0 : index
    %get3A_305 = vector.load %arg9[%get3A_303, %get3A_304] : memref<2000x128xf32, #tpu.memory_space<vmem>>, vector<2000x128xf32>
    %convert_element_type3A_306 = arith.truncf %get3A_305 : vector<2000x128xf32> to vector<2000x128xbf16>
    %get3A_307 = arith.constant 0 : index
    %get3A_308 = arith.constant 0 : index
    %get3A_309 = vector.load %arg11[%get3A_307, %get3A_308] : memref<128x512xbf16, #tpu.memory_space<vmem>>, vector<128x512xbf16>
    %dot_general3A_310 = arith.constant dense<0.000000e+00> : vector<2000x512xf32>
    %dot_general3A_311 = tpu.matmul %convert_element_type3A_306, %get3A_309, %dot_general3A_310 {dimension_numbers = #tpu.dot_dimension_numbers<[1], [0], [0], [1], [0, 0, 1, 1], [], []>, transpose_lhs_hint = false} : vector<2000x128xbf16>, vector<128x512xbf16>, vector<2000x512xf32> -> vector<2000x512xf32>
    %convert_element_type3A_312 = arith.truncf %mul3A_302 : vector<2000x128xf32> to vector<2000x128xbf16>
    %get3A_313 = arith.constant 0 : index
    %get3A_314 = arith.constant 0 : index
    %get3A_315 = vector.load %arg12[%get3A_313, %get3A_314] : memref<128x512xbf16, #tpu.memory_space<vmem>>, vector<128x512xbf16>
    %dot_general3A_316 = arith.constant dense<0.000000e+00> : vector<2000x512xf32>
    %dot_general3A_317 = tpu.matmul %convert_element_type3A_312, %get3A_315, %dot_general3A_316 {dimension_numbers = #tpu.dot_dimension_numbers<[1], [0], [0], [1], [0, 0, 1, 1], [], []>, transpose_lhs_hint = false} : vector<2000x128xbf16>, vector<128x512xbf16>, vector<2000x512xf32> -> vector<2000x512xf32>
    %add3A_318 = arith.addf %dot_general3A_311, %dot_general3A_317 : vector<2000x512xf32>
    %get3A_319 = arith.constant 0 : index
    %get3A_320 = arith.constant 0 : index
    %get3A_321 = vector.load %arg13[%get3A_319, %get3A_320] : memref<1x512xf32, #tpu.memory_space<vmem>>, vector<1x512xf32>
    %add3A_322 = vector.broadcast %get3A_321 : vector<1x512xf32> to vector<2000x512xf32>
    %add3A_323 = arith.addf %add3A_318, %add3A_322 : vector<2000x512xf32>
    %slice3A_324 = vector.extract_strided_slice %add3A_323 {offsets = [0, 0], sizes = [2000, 128], strides = [1, 1]} : vector<2000x512xf32> to vector<2000x128xf32>
    %tanh3A_325 = math.tanh %slice3A_324 : vector<2000x128xf32>
    %slice3A_326 = vector.extract_strided_slice %add3A_323 {offsets = [0, 128], sizes = [2000, 128], strides = [1, 1]} : vector<2000x512xf32> to vector<2000x128xf32>
    %tanh3A_327 = math.tanh %slice3A_326 : vector<2000x128xf32>
    %slice3A_328 = vector.extract_strided_slice %add3A_323 {offsets = [0, 256], sizes = [2000, 128], strides = [1, 1]} : vector<2000x512xf32> to vector<2000x128xf32>
    %tanh3A_329 = math.tanh %slice3A_328 : vector<2000x128xf32>
    %slice3A_330 = vector.extract_strided_slice %add3A_323 {offsets = [0, 384], sizes = [2000, 128], strides = [1, 1]} : vector<2000x512xf32> to vector<2000x128xf32>
    %tanh3A_331 = math.tanh %slice3A_330 : vector<2000x128xf32>
    %mul3A_332 = arith.mulf %tanh3A_327, %mul3A_296 : vector<2000x128xf32>
    %add3A_333 = arith.addf %mul3A_332, %mul3A_296 : vector<2000x128xf32>
    %mul3A_334 = arith.mulf %tanh3A_325, %tanh3A_329 : vector<2000x128xf32>
    %add3A_335 = arith.addf %add3A_333, %mul3A_334 : vector<2000x128xf32>
    %add3A_336 = arith.addf %add3A_335, %tanh3A_329 : vector<2000x128xf32>
    %mul3A_337 = arith.constant 5.000000e-01 : f32
    %mul3A_338 = vector.broadcast %mul3A_337 : f32 to vector<2000x128xf32>
    %mul3A_339 = arith.mulf %mul3A_338, %add3A_336 : vector<2000x128xf32>
    %tanh3A_340 = math.tanh %mul3A_339 : vector<2000x128xf32>
    %mul3A_341 = arith.mulf %tanh3A_331, %tanh3A_340 : vector<2000x128xf32>
    %add3A_342 = arith.addf %mul3A_341, %tanh3A_340 : vector<2000x128xf32>
    %mul3A_343 = arith.constant 5.000000e-01 : f32
    %mul3A_344 = vector.broadcast %mul3A_343 : f32 to vector<2000x128xf32>
    %mul3A_345 = arith.mulf %mul3A_344, %add3A_342 : vector<2000x128xf32>
    %swap3A = arith.constant 0 : index
    %swap3A_346 = arith.constant 0 : index
    %swap3A_347 = vector.load %arg21[%swap3A, %swap3A_346] : memref<2000x128xf32, #tpu.memory_space<vmem>>, vector<2000x128xf32>
    tpu.vector_store %arg21[%swap3A, %swap3A_346], %mul3A_339 {strides = array<i32>} : memref<2000x128xf32, #tpu.memory_space<vmem>>, vector<2000x128xf32>,
    %swap3A_348 = arith.constant 0 : index
    %swap3A_349 = arith.constant 0 : index
    %swap3A_350 = vector.load %arg20[%swap3A_348, %swap3A_349] : memref<2000x128xf32, #tpu.memory_space<vmem>>, vector<2000x128xf32>
    tpu.vector_store %arg20[%swap3A_348, %swap3A_349], %mul3A_345 {strides = array<i32>} : memref<2000x128xf32, #tpu.memory_space<vmem>>, vector<2000x128xf32>,
    %eq3A_351 = arith.constant 3 : i32
    %eq3A_352 = arith.cmpi eq, %arg1, %eq3A_351 : i32
    %convert_element_type3A_353 = arith.extui %eq3A_352 : i1 to i32
    %cond3A_354 = arith.constant 0 : i32
    %cond3A_355 = arith.cmpi ne, %convert_element_type3A_353, %cond3A_354 : i32
    scf.if %cond3A_355 {
      %get3A_356 = arith.constant 0 : index
      %get3A_357 = arith.constant 0 : index
      %get3A_358 = vector.load %arg10[%get3A_356, %get3A_357] : memref<2000x128xf32, #tpu.memory_space<vmem>>, vector<2000x128xf32>
      %get3A_359 = arith.constant 0 : index
      %get3A_360 = arith.constant 0 : index
      %get3A_361 = vector.load %arg14[%get3A_359, %get3A_360] : memref<128x128xf32, #tpu.memory_space<vmem>>, vector<128x128xf32>
      %dot_general3A_362 = arith.constant dense<0.000000e+00> : vector<2000x128xf32>
      %dot_general3A_363 = tpu.matmul %get3A_358, %get3A_361, %dot_general3A_362 {dimension_numbers = #tpu.dot_dimension_numbers<[1], [0], [0], [1], [0, 0, 1, 1], [], []>, transpose_lhs_hint = false} : vector<2000x128xf32>, vector<128x128xf32>, vector<2000x128xf32> -> vector<2000x128xf32>
      %get3A_364 = arith.constant 0 : index
      %get3A_365 = arith.constant 0 : index
      %get3A_366 = vector.load %arg15[%get3A_364, %get3A_365] : memref<128x128xf32, #tpu.memory_space<vmem>>, vector<128x128xf32>
      %dot_general3A_367 = arith.constant dense<0.000000e+00> : vector<2000x128xf32>
      %dot_general3A_368 = tpu.matmul %mul3A_345, %get3A_366, %dot_general3A_367 {dimension_numbers = #tpu.dot_dimension_numbers<[1], [0], [0], [1], [0, 0, 1, 1], [], []>, transpose_lhs_hint = false} : vector<2000x128xf32>, vector<128x128xf32>, vector<2000x128xf32> -> vector<2000x128xf32>
      %add3A_369 = arith.addf %dot_general3A_363, %dot_general3A_368 : vector<2000x128xf32>
      %get3A_370 = arith.constant 0 : index
      %get3A_371 = arith.constant 0 : index
      %get3A_372 = vector.load %arg16[%get3A_370, %get3A_371] : memref<1x128xf32, #tpu.memory_space<vmem>>, vector<1x128xf32>
      %add3A_373 = vector.broadcast %get3A_372 : vector<1x128xf32> to vector<2000x128xf32>
      %add3A_374 = arith.addf %add3A_369, %add3A_373 : vector<2000x128xf32>
      %swap3A_375 = arith.constant 0 : index
      %swap3A_376 = arith.constant 0 : index
      %swap3A_377 = vector.load %arg19[%swap3A_375, %swap3A_376] : memref<2000x128xf32, #tpu.memory_space<vmem>>, vector<2000x128xf32>
      tpu.vector_store %arg19[%swap3A_375, %swap3A_376], %add3A_374 {strides = array<i32>} : memref<2000x128xf32, #tpu.memory_space<vmem>>, vector<2000x128xf32>,
    } else {
    }
    return
  }
  func.func @transform_0(%arg0: i32, %arg1: i32) -> (i32, i32) {
    %mul3A = arith.constant 8 : i32
    %mul3A_0 = arith.muli %mul3A, %arg1 : i32
    %add3A = arith.constant 0 : i32
    %add3A_1 = arith.addi %mul3A_0, %add3A : i32
    %mul3A_2 = arith.constant 5 : i32
    %mul3A_3 = arith.muli %add3A_1, %mul3A_2 : i32
    %add3A_4 = arith.addi %mul3A_3, %arg0 : i32
    %c0_i32 = arith.constant 0 : i32
    %c0_i32_5 = arith.constant 0 : i32
    return %add3A_4, %c0_i32 : i32, i32
  }
  func.func @transform_1(%arg0: i32, %arg1: i32) -> (i32, i32) {
    %mul3A = arith.constant 8 : i32
    %mul3A_0 = arith.muli %mul3A, %arg1 : i32
    %add3A = arith.constant 1 : i32
    %add3A_1 = arith.addi %mul3A_0, %add3A : i32
    %mul3A_2 = arith.constant 5 : i32
    %mul3A_3 = arith.muli %add3A_1, %mul3A_2 : i32
    %add3A_4 = arith.addi %mul3A_3, %arg0 : i32
    %c0_i32 = arith.constant 0 : i32
    %c0_i32_5 = arith.constant 0 : i32
    return %add3A_4, %c0_i32 : i32, i32
  }
  func.func @transform_2(%arg0: i32, %arg1: i32) -> (i32, i32) {
    %mul3A = arith.constant 8 : i32
    %mul3A_0 = arith.muli %mul3A, %arg1 : i32
    %add3A = arith.constant 2 : i32
    %add3A_1 = arith.addi %mul3A_0, %add3A : i32
    %mul3A_2 = arith.constant 5 : i32
    %mul3A_3 = arith.muli %add3A_1, %mul3A_2 : i32
    %add3A_4 = arith.addi %mul3A_3, %arg0 : i32
    %c0_i32 = arith.constant 0 : i32
    %c0_i32_5 = arith.constant 0 : i32
    return %add3A_4, %c0_i32 : i32, i32
  }
  func.func @transform_3(%arg0: i32, %arg1: i32) -> (i32, i32) {
    %mul3A = arith.constant 8 : i32
    %mul3A_0 = arith.muli %mul3A, %arg1 : i32
    %add3A = arith.constant 3 : i32
    %add3A_1 = arith.addi %mul3A_0, %add3A : i32
    %mul3A_2 = arith.constant 5 : i32
    %mul3A_3 = arith.muli %add3A_1, %mul3A_2 : i32
    %add3A_4 = arith.addi %mul3A_3, %arg0 : i32
    %c0_i32 = arith.constant 0 : i32
    %c0_i32_5 = arith.constant 0 : i32
    return %add3A_4, %c0_i32 : i32, i32
  }
  func.func @transform_4(%arg0: i32, %arg1: i32) -> (i32, i32) {
    %mul3A = arith.constant 8 : i32
    %mul3A_0 = arith.muli %mul3A, %arg1 : i32
    %add3A = arith.constant 4 : i32
    %add3A_1 = arith.addi %mul3A_0, %add3A : i32
    %mul3A_2 = arith.constant 5 : i32
    %mul3A_3 = arith.muli %add3A_1, %mul3A_2 : i32
    %add3A_4 = arith.addi %mul3A_3, %arg0 : i32
    %c0_i32 = arith.constant 0 : i32
    %c0_i32_5 = arith.constant 0 : i32
    return %add3A_4, %c0_i32 : i32, i32
  }
  func.func @transform_5(%arg0: i32, %arg1: i32) -> (i32, i32) {
    %mul3A = arith.constant 8 : i32
    %mul3A_0 = arith.muli %mul3A, %arg1 : i32
    %add3A = arith.constant 5 : i32
    %add3A_1 = arith.addi %mul3A_0, %add3A : i32
    %mul3A_2 = arith.constant 5 : i32
    %mul3A_3 = arith.muli %add3A_1, %mul3A_2 : i32
    %add3A_4 = arith.addi %mul3A_3, %arg0 : i32
    %c0_i32 = arith.constant 0 : i32
    %c0_i32_5 = arith.constant 0 : i32
    return %add3A_4, %c0_i32 : i32, i32
  }
  func.func @transform_6(%arg0: i32, %arg1: i32) -> (i32, i32) {
    %mul3A = arith.constant 8 : i32
    %mul3A_0 = arith.muli %mul3A, %arg1 : i32
    %add3A = arith.constant 6 : i32
    %add3A_1 = arith.addi %mul3A_0, %add3A : i32
    %mul3A_2 = arith.constant 5 : i32
    %mul3A_3 = arith.muli %add3A_1, %mul3A_2 : i32
    %add3A_4 = arith.addi %mul3A_3, %arg0 : i32
    %c0_i32 = arith.constant 0 : i32
    %c0_i32_5 = arith.constant 0 : i32
    return %add3A_4, %c0_i32 : i32, i32
  }
  func.func @transform_7(%arg0: i32, %arg1: i32) -> (i32, i32) {
    %mul3A = arith.constant 8 : i32
    %mul3A_0 = arith.muli %mul3A, %arg1 : i32
    %add3A = arith.constant 7 : i32
    %add3A_1 = arith.addi %mul3A_0, %add3A : i32
    %mul3A_2 = arith.constant 5 : i32
    %mul3A_3 = arith.muli %add3A_1, %mul3A_2 : i32
    %add3A_4 = arith.addi %mul3A_3, %arg0 : i32
    %c0_i32 = arith.constant 0 : i32
    %c0_i32_5 = arith.constant 0 : i32
    return %add3A_4, %c0_i32 : i32, i32
  }
  func.func @transform_8(%arg0: i32, %arg1: i32) -> (i32, i32) {
    %c0_i32 = arith.constant 0 : i32
    %c0_i32_0 = arith.constant 0 : i32
    return %arg0, %c0_i32 : i32, i32
  }
  func.func @transform_9(%arg0: i32, %arg1: i32) -> (i32, i32) {
    %c0_i32 = arith.constant 0 : i32
    %c0_i32_0 = arith.constant 0 : i32
    %c0_i32_1 = arith.constant 0 : i32
    return %c0_i32, %c0_i32_0 : i32, i32
  }
  func.func @transform_10(%arg0: i32, %arg1: i32) -> (i32, i32) {
    %c0_i32 = arith.constant 0 : i32
    %c0_i32_0 = arith.constant 0 : i32
    %c0_i32_1 = arith.constant 0 : i32
    return %c0_i32, %c0_i32_0 : i32, i32
  }
  func.func @transform_11(%arg0: i32, %arg1: i32) -> (i32, i32) {
    %c0_i32 = arith.constant 0 : i32
    %c0_i32_0 = arith.constant 0 : i32
    %c0_i32_1 = arith.constant 0 : i32
    return %c0_i32, %c0_i32_0 : i32, i32
  }
  func.func @transform_12(%arg0: i32, %arg1: i32) -> (i32, i32) {
    %c0_i32 = arith.constant 0 : i32
    %c0_i32_0 = arith.constant 0 : i32
    %c0_i32_1 = arith.constant 0 : i32
    return %c0_i32, %c0_i32_0 : i32, i32
  }
  func.func @transform_13(%arg0: i32, %arg1: i32) -> (i32, i32) {
    %c0_i32 = arith.constant 0 : i32
    %c0_i32_0 = arith.constant 0 : i32
    %c0_i32_1 = arith.constant 0 : i32
    return %c0_i32, %c0_i32_0 : i32, i32
  }
  func.func @transform_14(%arg0: i32, %arg1: i32) -> (i32, i32) {
    %c0_i32 = arith.constant 0 : i32
    %c0_i32_0 = arith.constant 0 : i32
    %c0_i32_1 = arith.constant 0 : i32
    return %c0_i32, %c0_i32_0 : i32, i32
  }
  func.func @transform_15(%arg0: i32, %arg1: i32) -> (i32, i32) {
    %c0_i32 = arith.constant 0 : i32
    %c0_i32_0 = arith.constant 0 : i32
    %c0_i32_1 = arith.constant 0 : i32
    return %c0_i32, %c0_i32_0 : i32, i32
  }
  func.func @transform_16(%arg0: i32, %arg1: i32) -> (i32, i32) {
    %c0_i32 = arith.constant 0 : i32
    %c0_i32_0 = arith.constant 0 : i32
    %c0_i32_1 = arith.constant 0 : i32
    return %c0_i32, %c0_i32_0 : i32, i32
  }
  func.func @transform_17(%arg0: i32, %arg1: i32) -> (i32, i32) {
    %c0_i32 = arith.constant 0 : i32
    %c0_i32_0 = arith.constant 0 : i32
    return %arg0, %c0_i32 : i32, i32
  }
}

</mosaic_0001>

<sc_bundles>
// kernel: kernel.6.cloned.1.call-start
scs
__scs_entry_jumppad:
0x0: {  	(pc) =	sbr.rel $0x88, $3  }
0x1: {  	(tag) =	ssettag $0x0;
	lr =	simm.s32 $0x1  }
0x2: {  	[smem:$0x3F8F] =	sst lr;
	_ =	strace $0xD0000000  }
0x3: {  	_ = 	snop  }
0x4: {  	_ = 	snop  }
0x5: {  	_ = 	snop  }
0x6: {  	_ = 	snop  }
0x7: {  	_ = 	snop  }
__scs_overlays_trampoline_lowered:
0x8: {  	[smem:$0x3F9E] =	sst s0  }
0x9: {  	[smem:$0x3F9F] =	sst s1  }
0xa: {  	[smem:$0x3FA0] =	sst s2  }
0xb: {  	[smem:$0x3FA1] =	sst s3  }
0xc: {  	[smem:$0x3FA2] =	sst s4  }
0xd: {  	[smem:$0x3FA3] =	sst s5  }
0xe: {  	[smem:$0x3FA4] =	sst s6  }
0xf: {  	[smem:$0x3FA5] =	sst s7  }
0x10: {  	[smem:$0x3FA6] =	sst s8  }
0x11: {  	[smem:$0x3FA7] =	sst s9;
	s0 =	simm.s32 @!p0 $0x0  }
0x12: {  	s1 =	sld [smem:$0x3F8D];
	s0 =	simm.s32 @p0 $0x1  }
0x13: {  	[smem:$0x3FA8] =	sst s0;
	s0 =	simm.s32 @!p1 $0x0  }
0x14: {  	s2 =	sld [smem:$0x3F8C];
	s0 =	simm.s32 @p1 $0x1  }
0x15: {  	[smem:$0x3FA9] =	sst s0;
	s0 =	simm.s32 @!p2 $0x0  }
0x16: {  	s3 =	sld [smem:$0x3FDB];
	s0 =	simm.s32 @p2 $0x1  }
0x17: {  	s4 =	simm.s32 $0x1BF5;
	[smem:$0x3FAB] =	sst s0  }
0x18: {  	s0 =	sld [smem:$0x3F8E];
	_ =	swait.ge [sflag:s4], $0x0  }
0x19: {  	s7 =	sld [smem:$0x3F8F]  }
0x1a: {  	s8 =	sadd.s32 $0xFFFFE003, lr  }
0x1b: {  	s9 =	sadd.s32 $0xFFFFFEF7, lr;
	s5 =	simm.s32 $0xFFFFFFFF;
	p2 =	slt.u32 s8, $0xFFFFF086  }
0x1c: {  	p1 =	slt.u32 s9, $0xF7A;
	s5 =	simm.s32 @!p2 $0x0  }
0x1d: {  	s5 =	simm.s32 @p1 $0x1;
	p0 =	seq.s32 s7, s2  }
0x1e: {  	s7 =	smul.u32 @!p0 $0xF7A, s2;
	p2 =	seq.s32 @!p0 s5, $0x0  }
0x1f: {  	s9 =	smul.u32 $0xF7A, s1;
	s8 =	simm.s32 @!p0 $0x1BF5;
	p2 =	por !p2, p0  }
0x20: {  	[sflag:s8] =	ssyncset.s32 @!p0 $0xFFFFF086;
	s6 =	sadd.s32 @!p0 s3, s7;
	s7 =	simm.s32 @!p0 $0x108  }
0x21: {  	s3 =	sadd.s32 s3, s9;
	s6 =	sadd.s32 @!p0 $0x88, s6;
	s7 =	simm.s32 @p2 $0x1082  }
0x22: {  	[simem:s7], [sflag:s8] =	dma.local @!p0 [hbm:s6], $0xF7A  }
0x23: {  	s9 =	sor.u32 $0xD0000000, s2;
	s6 =	simm.s32 $0x108;
	_ =	swait.ge @!p0 [sflag:s8], $0x0  }
0x24: {  	s3 =	sadd.s32 $0x88, s3;
	s6 =	simm.s32 @!p1 $0x1082;
	[sflag:s4] =	ssyncset.s32 $0xFFFFF086  }
0x25: {  	[simem:s6], [sflag:s4] =	dma.local [hbm:s3], $0xF7A  }
0x26: {  	[smem:$0x3F8F] =	sst s1;
	(tag) =	ssettag s2;
	_ =	strace s9  }
0x27: {  	s1 =	sld [smem:$0x3F9F]  }
0x28: {  	s2 =	sld [smem:$0x3FA0]  }
0x29: {  	s4 =	sld [smem:$0x3FA2]  }
0x2a: {  	p0 =	seq.s32 s5, $0x0;
	s5 =	sld [smem:$0x3FA3]  }
0x2b: {  	s6 =	sld [smem:$0x3FA4]  }
0x2c: {  	s7 =	sld [smem:$0x3FA5]  }
0x2d: {  	s3 =	simm.s32 $0x108;
	s8 =	sld [smem:$0x3FA6]  }
0x2e: {  	s3 =	simm.s32 @!p0 $0x1082;
	s9 =	sld [smem:$0x3FA7]  }
0x2f: {  	lr =	sadd.s32 s0, s3;
	s0 =	sld [smem:$0x3F9E]  }
0x30: {  	s3 =	sld [smem:$0x3FA1]  }
0x31: {  	[smem:$0x3FAA] =	sst s10  }
0x32: {  	s10 =	sld [smem:$0x3FA8];
	_ =	sdelay $0x3  }
0x33: {  	p0 =	seq.s32 s10, $0x1;
	s10 =	sld [smem:$0x3FAA];
	_ =	sdelay $0x3  }
0x34: {  	[smem:$0x3FAA] =	sst s10  }
0x35: {  	s10 =	sld [smem:$0x3FA9];
	_ =	sdelay $0x3  }
0x36: {  	p1 =	seq.s32 s10, $0x1;
	s10 =	sld [smem:$0x3FAA];
	_ =	sdelay $0x3  }
0x37: {  	[smem:$0x3FAA] =	sst s10  }
0x38: {  	s10 =	sld [smem:$0x3FAB]  }
0x39: {  	_ = 	snop;
	(pc) =	sbr.ind lr, $3  }
0x3a: {  	_ = 	snop  }
0x3b: {  	_ = 	snop  }
0x3c: {  	p2 =	seq.s32 s10, $0x1;
	s10 =	sld [smem:$0x3FAA]  }
0x3d: {  	_ =	shalt  }
0x3e: {  	_ =	shalt  }
0x3f: {  	_ =	shalt  }
0x40: {  	_ =	shalt  }
0x41: {  	_ =	shalt  }
0x42: {  	_ =	shalt  }
0x43: {  	_ =	shalt  }
0x44: {  	_ =	shalt  }
0x45: {  	_ =	shalt  }
0x46: {  	_ =	shalt  }
0x47: {  	_ =	shalt  }
0x48: {  	_ =	shalt  }
0x49: {  	_ =	shalt  }
0x4a: {  	_ =	shalt  }
0x4b: {  	_ =	shalt  }
0x4c: {  	_ =	shalt  }
0x4d: {  	_ =	shalt  }
0x4e: {  	_ =	shalt  }
0x4f: {  	_ =	shalt  }
0x50: {  	_ =	shalt  }
0x51: {  	_ =	shalt  }
0x52: {  	_ =	shalt  }
0x53: {  	_ =	shalt  }
0x54: {  	_ =	shalt  }
0x55: {  	_ =	shalt  }
0x56: {  	_ =	shalt  }
0x57: {  	_ =	shalt  }
0x58: {  	_ =	shalt  }
0x59: {  	_ =	shalt  }
0x5a: {  	_ =	shalt  }
0x5b: {  	_ =	shalt  }
0x5c: {  	_ =	shalt  }
0x5d: {  	_ =	shalt  }
0x5e: {  	_ =	shalt  }
0x5f: {  	_ =	shalt  }
0x60: {  	_ =	shalt  }
0x61: {  	_ =	shalt  }
0x62: {  	_ =	shalt  }
0x63: {  	_ =	shalt  }
0x64: {  	_ =	shalt  }
0x65: {  	_ =	shalt  }
0x66: {  	_ =	shalt  }
0x67: {  	_ =	shalt  }
0x68: {  	_ =	shalt  }
0x69: {  	_ =	shalt  }
0x6a: {  	_ =	shalt  }
0x6b: {  	_ =	shalt  }
0x6c: {  	_ =	shalt  }
0x6d: {  	_ =	shalt  }
0x6e: {  	_ =	shalt  }
0x6f: {  	_ =	shalt  }
0x70: {  	_ =	shalt  }
0x71: {  	_ =	shalt  }
0x72: {  	_ =	shalt  }
0x73: {  	_ =	shalt  }
0x74: {  	_ =	shalt  }
0x75: {  	_ =	shalt  }
0x76: {  	_ =	shalt  }
0x77: {  	_ =	shalt  }
0x78: {  	_ =	shalt  }
0x79: {  	_ =	shalt  }
0x7a: {  	_ =	shalt  }
0x7b: {  	_ =	shalt  }
0x7c: {  	_ =	shalt  }
0x7d: {  	_ =	shalt  }
0x7e: {  	_ =	shalt  }
0x7f: {  	_ =	shalt  }
0x80: {  	_ =	shalt  }
0x81: {  	_ =	shalt  }
0x82: {  	_ =	shalt  }
0x83: {  	_ =	shalt  }
0x84: {  	_ =	shalt  }
0x85: {  	_ =	shalt  }
0x86: {  	_ =	shalt  }
0x87: {  	_ =	shalt  }
.Lfunc_end0:
.L_simem_size_0:
called_computation_lowered:
.L_overlay_start_0:
0x88: {  	s2 =	sld [smem:$0x3FD9]  }
0x89: {  	s3 =	sld [smem:$0x3FFE];
	_ =	sdelay $0x1  }
0x8a: {  	s1 =	srdreg.scid  }
0x8b: {  	s0 =	sand.u32 $0x1, s1  }
0x8c: {  	s17 =	sshll.u32 s0, $0xA;
	s2 =	sadd.s32 s3, s2  }
0x8d: {  	s2 =	sadd.s32 s2, s17  }
0x8e: {  	[smem:$0x3FB6] =	sst s2  }
0x8f: {  	_ = 	snop  }
0x90: {  	s2 =	sld [smem:$0x3FC9];
	(tm) =	ssettm $0x1  }
0x91: {  	s18 =	sld [smem:$0x3FFB];
	_ =	sdelay $0x3  }
0x92: {  	_ =	strace s18  }
0x93: {  	s3 =	sld [smem:$0x3FFC];
	_ =	sdelay $0x3  }
0x94: {  	_ =	strace s3  }
0x95: {  	s3 =	sld [smem:$0x3FFD];
	_ =	sdelay $0x3  }
0x96: {  	_ =	strace s3  }
0x97: {  	_ =	strace $0x8FFFFFFF  }
0x98: {  	s19 =	sld [smem:$0x3FDB];
	_ =	sdelay $0x1  }
0x99: {  	s4 =	simm.s32 $_scs_section_size  }
0x9a: {  	s5 =	simm.s32 $_size__tile_overlayer_lowered;
	s6 =	simm.s32 $_tile_overlayer_lowered  }
0x9b: {  	s22 =	simm.s32 $0x1BFF;
	s21 =	sshll.u32 s6, $0x1;
	s3 =	sadd.s32 s4, s19  }
0x9c: {  	s7 =	simm.s32 $0x0;
	s20 =	sshll.u32 s5, $0x1;
	s5 =	sadd.s32 s21, s3  }
0x9d: {  	[timem:s7], [sflag:s22] =	dma.local [hbm:s5], s20  }
0x9e: {  	_ =	swait.ge [sflag:s22], s20  }
0x9f: {  	s4 =	ssub.s32 $0x0, s20;
	[sflag:s22] =	ssyncset.done $0x0  }
0xa0: {  	[sflag:s22] =	ssyncadd.s32 s4;
	_ =	sdelay $0x1  }
0xa1: {  	s23 =	simm.s32 $0x1B8B  }
0xa2: {  	_ =	swait.ge [sflag:s23], $0x1  }
0xa3: {  	[sflag:s23] =	ssyncset.done $0x0  }
0xa4: {  	s25 =	simm.s32 $0x1B8E;
	s24 =	sld [smem:$0x3FFE];
	[sflag:s23] =	ssyncadd.s32 $0xFFFFFFFF  }
0xa5: {  	s26 =	simm.s32 $execute0_lowered;
	[smem:$0x3FD2] =	sst s25  }
0xa6: {  	s5 =	sshll.u32 s26, $0x1;
	_ =	strace $0x80000046;
	[dreg:$0x1] =	wrdreg $0xFFFFFFFF  }
0xa7: {  	s28 =	simm.s32 $_size_execute0_lowered;
	s3 =	sadd.s32 s3, s5;
	[dreg:$0x0] =	wrdreg $0x0  }
0xa8: {  	s5 =	sshll.u32 s28, $0x1;
	[dreg:$0x2] =	wrdreg s3  }
0xa9: {  	[dreg:$0x3] =	wrdreg s5  }
0xaa: {  	[dreg:$0x4] =	wrdreg $0xC0  }
0xab: {  	_ =	task [dreg:s7], $0x5FFFF  }
0xac: {  	[dreg:$0x1] =	wrdreg $0xFFFFFFFF  }
0xad: {  	[dreg:$0x0] =	wrdreg $0x60  }
0xae: {  	[dreg:$0x2] =	wrdreg s2  }
0xaf: {  	[dreg:$0x3] =	wrdreg s24  }
0xb0: {  	[dreg:$0x4] =	wrdreg $0x9  }
0xb1: {  	_ =	task.clear_ibuf [dreg:s7], $0x5FFFF;
	_ =	strace $0x90000046  }
0xb2: {  	s29 =	simm.s32 $0x9;
	_ =	strace $0x80000048  }
0xb3: {  	_ =	swait.ge [sflag:s29], $0x1  }
0xb4: {  	[sflag:s29] =	ssyncadd.s32 $0xFFFFFFFF  }
0xb5: {  	_ =	strace $0x90000048  }
0xb6: {  	_ =	sfence  }
0xb7: {  	s30 =	sld [smem:$0x0];
	_ =	sdelay $0x2  }
0xb8: {  	s31 =	sshll.u32 s1, $0xD;
	s1 =	sshrl.u32 s1, $0x2  }
0xb9: {  	s3 =	sand.u32 $0x4000, s31;
	s1 =	sadd.s32 s1, s30  }
0xba: {  	s0 =	sor.u32 s3, s0;
	s1 =	sshll.u32 s1, $0x11  }
0xbb: {  	s0 =	sor.u32 s1, s0  }
0xbc: {  	s0 =	sadd.s32 $0x8F2B, s0  }
0xbd: {  	[sflag:s0] =	ssyncadd.remote.s32 $0x1  }
0xbe: {  	_ =	sfence.sel $0xFFFF  }
0xbf: {  	[dreg:$0x0] =	wrdreg $0xFFFFFFFF;
	(pc) =	sbr.abs _section_cstart, $3  }
0xc0: {  	[dreg:$0x1] =	wrdreg $0xFFFFFFFF  }
0xc1: {  	_ =	task.clear_ibuf [dreg:s7], $0x2FFFF;
	_ =	strace $0x9FFFFFFF  }
0xc2: {  	(tm) =	ssettm $0x7FFFFFFF  }
0xc3: {  	_ =	shalt  }
tec
execute0_lowered:
.L_overlay_start_1:
0x0: {  	(tag) =	ssettag $0x1  }
0x1: {  	s1 =	srdreg.scid;
	s2 =	rddreg [dreg:$0x0]  }
0x2: {  	s0 =	stileid.u32;
	s4 =	rddreg [dreg:$0x1];
	s3 =	simm.s32 $0x0  }
0x3: {  	s12 =	simm.s32 $0x1;
	s13 =	simm.s32 $0x6800;
	s14 =	simm.s32 $0x2  }
0x4: {  	s15 =	simm.s32 $0x3;
	s16 =	simm.s32 $0x0;
	s6 =	sand.u32 $0x1, s1  }
0x5: {  	s29 =	sshll.u32 s0, $0x1;
	s1 =	rddreg [dreg:$0x2];
	s30 =	smul.u32 $0x50000, s0  }
0x6: {  	[smem:$0x7FF] =	sst s3;
	s5 =	sor.u32 s6, s29;
	s11 =	smul.u32 $0x28000, s6  }
0x7: {  	s10 =	sadd.s32 $0xDE00, s4;
	s8 =	ssub.s32 $0x2, s6;
	s7 =	smul.u32 $0x2800, s5  }
0x8: {  	_ =	strace $0x80000047;
	s9 =	sshrl.u32 s8, $0x1;
	s5 =	smul.u32 $0x28000, s5  }
0x9: {  	s31 =	sadd.s32 s30, s10;
	s8 =	ssub.s32 s8, s9;
	s9 =	simm.s32 $0x4  }
0xa: {  	s7 =	sshrl.u32 s7, $0x3;
	s5 =	sadd.s32 s10, s5;
	s6 =	smax.u32 s8, $0x1  }
0xb: {  	s8 =	sadd.s32 s11, s31;
	s10 =	simm.s32 $0x80;
	s7 =	sadd.s32 s7, s4  }
0xc: {  	s11 =	simm.s32 $0x2800;
	s4 =	sadd.s32 $0x3E00, s7;
	s7 =	sadd.s32 $0x800, s5  }
.LBB2_1:
0xd: {  	[tilespmem:s3], [sflag:$0x4] =	stream.linear.gather [hbm4b:s4+s3], $0x2800, $0x38;
	[tilespmem:$0xA800] =	vst v63  }
0xe: {  	_ =	swait.ge [sflag:s9], $0x2800  }
0xf: {  	[sflag:s9] =	ssyncset.done $0x0  }
0x10: {  	[sflag:s9] =	ssyncadd.s32 $0xFFFFD800  }
0x11: {  	[tilespmem:s11], [sflag:$0x1] =	stream.indirect.gather [hbm4b:s2+s10], $0x80, s3, s10, $0xb8;
	[tilespmem:$0xA800] =	vst v63  }
0x12: {  	_ =	swait.ge [sflag:s12], $0x4000  }
0x13: {  	[sflag:s12] =	ssyncset.done $0x0  }
0x14: {  	[sflag:s12] =	ssyncadd.s32 $0xFFFFC000  }
0x15: {  	[hbm4b:s5+s3] =	stream.linear.scatter [tilespmem:s11], [sflag:$0x2], $0x4000, $0x38;
	[tilespmem:$0xA800] =	vst v63  }
0x16: {  	_ = 	snop  }
0x17: {  	[tilespmem:s13], [sflag:$0x1] =	stream.indirect.gather [hbm4b:s2+s10], $0x80, s10, s10, $0xb8;
	[tilespmem:$0xA800] =	vst v63  }
0x18: {  	_ =	swait.ge [sflag:s12], $0x4000  }
0x19: {  	[sflag:s12] =	ssyncset.done $0x0  }
0x1a: {  	[sflag:s12] =	ssyncadd.s32 $0xFFFFC000  }
0x1b: {  	[hbm4b:s7+s3] =	stream.linear.scatter [tilespmem:s13], [sflag:$0x3], $0x4000, $0x38;
	[tilespmem:$0xA800] =	vst v63  }
0x1c: {  	_ =	swait.ge [sflag:s14], $0x4000  }
0x1d: {  	[sflag:s14] =	ssyncset.done $0x0  }
0x1e: {  	s17 =	simm.s32 $0x100;
	[sflag:s14] =	ssyncadd.s32 $0xFFFFC000  }
0x1f: {  	[tilespmem:s11], [sflag:$0x1] =	stream.indirect.gather [hbm4b:s2+s10], $0x80, s17, s10, $0xb8;
	[tilespmem:$0xA800] =	vst v63  }
0x20: {  	_ =	swait.ge [sflag:s12], $0x4000  }
0x21: {  	s18 =	sadd.s32 $0x0, s8;
	[sflag:s12] =	ssyncset.done $0x0  }
0x22: {  	s30 =	sadd.s32 $0x1000, s18;
	[sflag:s12] =	ssyncadd.s32 $0xFFFFC000  }
0x23: {  	[hbm4b:s30+s3] =	stream.linear.scatter [tilespmem:s11], [sflag:$0x2], $0x4000, $0x38;
	[tilespmem:$0xA800] =	vst v63  }
0x24: {  	_ =	swait.ge [sflag:s15], $0x4000  }
0x25: {  	[sflag:s15] =	ssyncset.done $0x0  }
0x26: {  	s31 =	simm.s32 $0x180;
	[sflag:s15] =	ssyncadd.s32 $0xFFFFC000  }
0x27: {  	[tilespmem:s13], [sflag:$0x1] =	stream.indirect.gather [hbm4b:s2+s10], $0x80, s31, s10, $0xb8;
	[tilespmem:$0xA800] =	vst v63  }
0x28: {  	_ =	swait.ge [sflag:s12], $0x4000  }
0x29: {  	s19 =	sadd.s32 $0x1800, s18;
	[sflag:s12] =	ssyncset.done $0x0  }
0x2a: {  	s18 =	simm.s32 $0x200;
	s17 =	simm.s32 $0x1000;
	[sflag:s12] =	ssyncadd.s32 $0xFFFFC000  }
.LBB2_2:
0x2b: {  	[hbm4b:s19+s3] =	stream.linear.scatter [tilespmem:s13], [sflag:$0x3], $0x4000, $0x38;
	[tilespmem:$0xA800] =	vst v63  }
0x2c: {  	s19 =	smov.u32 s17  }
0x2d: {  	p0 =	sne.s32 s17, $0x26000;
	s17 =	sadd.s32 $0x1000, s17;
	_ =	swait.ge [sflag:s14], $0x4000  }
0x2e: {  	[sflag:s14] =	ssyncset.done $0x0  }
0x2f: {  	[sflag:s14] =	ssyncadd.s32 $0xFFFFC000  }
0x30: {  	[tilespmem:s11], [sflag:$0x1] =	stream.indirect.gather [hbm4b:s2+s10], $0x80, s18, s10, $0xb8;
	[tilespmem:$0xA800] =	vst v63  }
0x31: {  	_ =	swait.ge [sflag:s12], $0x4000  }
0x32: {  	s19 =	sadd.s32 s19, s8;
	[sflag:s12] =	ssyncset.done $0x0  }
0x33: {  	s20 =	sadd.s32 $0x1000, s19;
	[sflag:s12] =	ssyncadd.s32 $0xFFFFC000  }
0x34: {  	[hbm4b:s20+s3] =	stream.linear.scatter [tilespmem:s11], [sflag:$0x2], $0x4000, $0x38;
	[tilespmem:$0xA800] =	vst v63  }
0x35: {  	_ =	swait.ge [sflag:s15], $0x4000  }
0x36: {  	[sflag:s15] =	ssyncset.done $0x0  }
.Ltmp0:
0x37: {  	s20 =	sadd.s32 $0x80, s18;
	[sflag:s15] =	ssyncadd.s32 $0xFFFFC000;
	(pc) =	sbr.rel @p0 .LBB2_2-.Ltmp0, $4  }
0x38: {  	[tilespmem:s13], [sflag:$0x1] =	stream.indirect.gather [hbm4b:s2+s10], $0x80, s20, s10, $0xb8;
	[tilespmem:$0xA800] =	vst v63  }
0x39: {  	_ =	swait.ge [sflag:s12], $0x4000  }
0x3a: {  	[sflag:s12] =	ssyncset.done $0x0  }
0x3b: {  	s19 =	sadd.s32 $0x1800, s19;
	s18 =	sadd.s32 $0x100, s18;
	[sflag:s12] =	ssyncadd.s32 $0xFFFFC000  }
0x3c: {  	[hbm4b:s19+s3] =	stream.linear.scatter [tilespmem:s13], [sflag:$0x3], $0x4000, $0x38;
	[tilespmem:$0xA800] =	vst v63  }
0x3d: {  	s16 =	sadd.s32 $0x1, s16  }
0x3e: {  	_ =	swait.ge [sflag:s14], $0x4000;
	p0 =	sne.s32 s16, s6  }
.Ltmp1:
0x3f: {  	[sflag:s14] =	ssyncset.done $0x0;
	(pc) =	sbr.rel @p0 .LBB2_1-.Ltmp1, $4  }
0x40: {  	[sflag:s14] =	ssyncadd.s32 $0xFFFFC000  }
0x41: {  	_ =	swait.ge [sflag:s15], $0x4000  }
0x42: {  	[sflag:s15] =	ssyncset.done $0x0  }
0x43: {  	[sflag:s15] =	ssyncadd.s32 $0xFFFFC000  }
0x44: {  	_ =	sfence.sel $0x180000  }
0x45: {  	[bflag:$0x0] =	sbarrier.arrive $0xFFFF  }
0x46: {  	p0 =	sne.s32 s0, $0x0;
	_ =	strace $0x90000047  }
0x47: {  	s0 =	sadd.s32 @!p0 $0x100000, s1;
	[bflag:$0x2] =	sbarrier.arrive $0xFFFF  }
0x48: {  	[sflag:s0] =	ssyncadd.tile.s32 @!p0 $0x1;
	_ =	shalt  }
.Lfunc_end2:
_tile_overlayer_lowered:
.L_overlay_start_2:
0x49: {  	(tag) =	ssettag $0x2  }
0x4a: {  	s0 =	rddreg [dreg:$0x0];
	s2 =	stileid.u32  }
0x4b: {  	s1 =	rddreg [dreg:$0x1];
	p0 =	sne.s32 s2, $0x0  }
0x4c: {  	s3 =	rddreg [dreg:$0x2];
	[bflag:$0x3] =	sbarrier.arrive $0xFFFF;
	s2 =	simm.s32 @!p0 $0x1C04  }
0x4d: {  	[timem:s3], [sflag:s2] =	dma.local @!p0 [hbm:s0], s1  }
0x4e: {  	s0 =	simm.s32 @!p0 $0x4  }
0x4f: {  	_ =	swait.ge @!p0 [sflag:s0], s1  }
0x50: {  	s1 =	ssub.s32 @!p0 $0x0, s1;
	[sflag:s0] =	ssyncset.done @!p0 $0x0  }
0x51: {  	[sflag:s0] =	ssyncadd.s32 @!p0 s1  }
0x52: {  	[bflag:$0x3] =	sbarrier.arrive $0xFFFF  }
0x53: {  	_ =	shalt  }

// kernel: kernel.9.cloned.1.call-start
scs
__scs_entry_jumppad:
0x0: {  	(pc) =	sbr.rel $0x88, $3  }
0x1: {  	(tag) =	ssettag $0x0;
	lr =	simm.s32 $0x1  }
0x2: {  	[smem:$0x3F8F] =	sst lr;
	_ =	strace $0xD0000000  }
0x3: {  	_ = 	snop  }
0x4: {  	_ = 	snop  }
0x5: {  	_ = 	snop  }
0x6: {  	_ = 	snop  }
0x7: {  	_ = 	snop  }
__scs_overlays_trampoline_lowered:
0x8: {  	[smem:$0x3F9E] =	sst s0  }
0x9: {  	[smem:$0x3F9F] =	sst s1  }
0xa: {  	[smem:$0x3FA0] =	sst s2  }
0xb: {  	[smem:$0x3FA1] =	sst s3  }
0xc: {  	[smem:$0x3FA2] =	sst s4  }
0xd: {  	[smem:$0x3FA3] =	sst s5  }
0xe: {  	[smem:$0x3FA4] =	sst s6  }
0xf: {  	[smem:$0x3FA5] =	sst s7  }
0x10: {  	[smem:$0x3FA6] =	sst s8  }
0x11: {  	[smem:$0x3FA7] =	sst s9;
	s0 =	simm.s32 @!p0 $0x0  }
0x12: {  	s1 =	sld [smem:$0x3F8D];
	s0 =	simm.s32 @p0 $0x1  }
0x13: {  	[smem:$0x3FA8] =	sst s0;
	s0 =	simm.s32 @!p1 $0x0  }
0x14: {  	s2 =	sld [smem:$0x3F8C];
	s0 =	simm.s32 @p1 $0x1  }
0x15: {  	[smem:$0x3FA9] =	sst s0;
	s0 =	simm.s32 @!p2 $0x0  }
0x16: {  	s3 =	sld [smem:$0x3FDB];
	s0 =	simm.s32 @p2 $0x1  }
0x17: {  	s4 =	simm.s32 $0x1BF5;
	[smem:$0x3FAB] =	sst s0  }
0x18: {  	s0 =	sld [smem:$0x3F8E];
	_ =	swait.ge [sflag:s4], $0x0  }
0x19: {  	s7 =	sld [smem:$0x3F8F]  }
0x1a: {  	s8 =	sadd.s32 $0xFFFFE003, lr  }
0x1b: {  	s9 =	sadd.s32 $0xFFFFFEF7, lr;
	s5 =	simm.s32 $0xFFFFFFFF;
	p2 =	slt.u32 s8, $0xFFFFF086  }
0x1c: {  	p1 =	slt.u32 s9, $0xF7A;
	s5 =	simm.s32 @!p2 $0x0  }
0x1d: {  	s5 =	simm.s32 @p1 $0x1;
	p0 =	seq.s32 s7, s2  }
0x1e: {  	s7 =	smul.u32 @!p0 $0xF7A, s2;
	p2 =	seq.s32 @!p0 s5, $0x0  }
0x1f: {  	s9 =	smul.u32 $0xF7A, s1;
	s8 =	simm.s32 @!p0 $0x1BF5;
	p2 =	por !p2, p0  }
0x20: {  	[sflag:s8] =	ssyncset.s32 @!p0 $0xFFFFF086;
	s6 =	sadd.s32 @!p0 s3, s7;
	s7 =	simm.s32 @!p0 $0x108  }
0x21: {  	s3 =	sadd.s32 s3, s9;
	s6 =	sadd.s32 @!p0 $0x88, s6;
	s7 =	simm.s32 @p2 $0x1082  }
0x22: {  	[simem:s7], [sflag:s8] =	dma.local @!p0 [hbm:s6], $0xF7A  }
0x23: {  	s9 =	sor.u32 $0xD0000000, s2;
	s6 =	simm.s32 $0x108;
	_ =	swait.ge @!p0 [sflag:s8], $0x0  }
0x24: {  	s3 =	sadd.s32 $0x88, s3;
	s6 =	simm.s32 @!p1 $0x1082;
	[sflag:s4] =	ssyncset.s32 $0xFFFFF086  }
0x25: {  	[simem:s6], [sflag:s4] =	dma.local [hbm:s3], $0xF7A  }
0x26: {  	[smem:$0x3F8F] =	sst s1;
	(tag) =	ssettag s2;
	_ =	strace s9  }
0x27: {  	s1 =	sld [smem:$0x3F9F]  }
0x28: {  	s2 =	sld [smem:$0x3FA0]  }
0x29: {  	s4 =	sld [smem:$0x3FA2]  }
0x2a: {  	p0 =	seq.s32 s5, $0x0;
	s5 =	sld [smem:$0x3FA3]  }
0x2b: {  	s6 =	sld [smem:$0x3FA4]  }
0x2c: {  	s7 =	sld [smem:$0x3FA5]  }
0x2d: {  	s3 =	simm.s32 $0x108;
	s8 =	sld [smem:$0x3FA6]  }
0x2e: {  	s3 =	simm.s32 @!p0 $0x1082;
	s9 =	sld [smem:$0x3FA7]  }
0x2f: {  	lr =	sadd.s32 s0, s3;
	s0 =	sld [smem:$0x3F9E]  }
0x30: {  	s3 =	sld [smem:$0x3FA1]  }
0x31: {  	[smem:$0x3FAA] =	sst s10  }
0x32: {  	s10 =	sld [smem:$0x3FA8];
	_ =	sdelay $0x3  }
0x33: {  	p0 =	seq.s32 s10, $0x1;
	s10 =	sld [smem:$0x3FAA];
	_ =	sdelay $0x3  }
0x34: {  	[smem:$0x3FAA] =	sst s10  }
0x35: {  	s10 =	sld [smem:$0x3FA9];
	_ =	sdelay $0x3  }
0x36: {  	p1 =	seq.s32 s10, $0x1;
	s10 =	sld [smem:$0x3FAA];
	_ =	sdelay $0x3  }
0x37: {  	[smem:$0x3FAA] =	sst s10  }
0x38: {  	s10 =	sld [smem:$0x3FAB]  }
0x39: {  	_ = 	snop;
	(pc) =	sbr.ind lr, $3  }
0x3a: {  	_ = 	snop  }
0x3b: {  	_ = 	snop  }
0x3c: {  	p2 =	seq.s32 s10, $0x1;
	s10 =	sld [smem:$0x3FAA]  }
0x3d: {  	_ =	shalt  }
0x3e: {  	_ =	shalt  }
0x3f: {  	_ =	shalt  }
0x40: {  	_ =	shalt  }
0x41: {  	_ =	shalt  }
0x42: {  	_ =	shalt  }
0x43: {  	_ =	shalt  }
0x44: {  	_ =	shalt  }
0x45: {  	_ =	shalt  }
0x46: {  	_ =	shalt  }
0x47: {  	_ =	shalt  }
0x48: {  	_ =	shalt  }
0x49: {  	_ =	shalt  }
0x4a: {  	_ =	shalt  }
0x4b: {  	_ =	shalt  }
0x4c: {  	_ =	shalt  }
0x4d: {  	_ =	shalt  }
0x4e: {  	_ =	shalt  }
0x4f: {  	_ =	shalt  }
0x50: {  	_ =	shalt  }
0x51: {  	_ =	shalt  }
0x52: {  	_ =	shalt  }
0x53: {  	_ =	shalt  }
0x54: {  	_ =	shalt  }
0x55: {  	_ =	shalt  }
0x56: {  	_ =	shalt  }
0x57: {  	_ =	shalt  }
0x58: {  	_ =	shalt  }
0x59: {  	_ =	shalt  }
0x5a: {  	_ =	shalt  }
0x5b: {  	_ =	shalt  }
0x5c: {  	_ =	shalt  }
0x5d: {  	_ =	shalt  }
0x5e: {  	_ =	shalt  }
0x5f: {  	_ =	shalt  }
0x60: {  	_ =	shalt  }
0x61: {  	_ =	shalt  }
0x62: {  	_ =	shalt  }
0x63: {  	_ =	shalt  }
0x64: {  	_ =	shalt  }
0x65: {  	_ =	shalt  }
0x66: {  	_ =	shalt  }
0x67: {  	_ =	shalt  }
0x68: {  	_ =	shalt  }
0x69: {  	_ =	shalt  }
0x6a: {  	_ =	shalt  }
0x6b: {  	_ =	shalt  }
0x6c: {  	_ =	shalt  }
0x6d: {  	_ =	shalt  }
0x6e: {  	_ =	shalt  }
0x6f: {  	_ =	shalt  }
0x70: {  	_ =	shalt  }
0x71: {  	_ =	shalt  }
0x72: {  	_ =	shalt  }
0x73: {  	_ =	shalt  }
0x74: {  	_ =	shalt  }
0x75: {  	_ =	shalt  }
0x76: {  	_ =	shalt  }
0x77: {  	_ =	shalt  }
0x78: {  	_ =	shalt  }
0x79: {  	_ =	shalt  }
0x7a: {  	_ =	shalt  }
0x7b: {  	_ =	shalt  }
0x7c: {  	_ =	shalt  }
0x7d: {  	_ =	shalt  }
0x7e: {  	_ =	shalt  }
0x7f: {  	_ =	shalt  }
0x80: {  	_ =	shalt  }
0x81: {  	_ =	shalt  }
0x82: {  	_ =	shalt  }
0x83: {  	_ =	shalt  }
0x84: {  	_ =	shalt  }
0x85: {  	_ =	shalt  }
0x86: {  	_ =	shalt  }
0x87: {  	_ =	shalt  }
.Lfunc_end0:
.L_simem_size_0:
called_computation.1_lowered:
.L_overlay_start_0:
0x88: {  	s2 =	sld [smem:$0x3FD9]  }
0x89: {  	s3 =	sld [smem:$0x3FFE];
	_ =	sdelay $0x1  }
0x8a: {  	s1 =	srdreg.scid  }
0x8b: {  	s0 =	sand.u32 $0x1, s1  }
0x8c: {  	s17 =	sshll.u32 s0, $0xA;
	s2 =	sadd.s32 s3, s2  }
0x8d: {  	s2 =	sadd.s32 s2, s17  }
0x8e: {  	[smem:$0x3FB6] =	sst s2  }
0x8f: {  	_ = 	snop  }
0x90: {  	s2 =	sld [smem:$0x3FD0];
	(tm) =	ssettm $0x1  }
0x91: {  	s18 =	sld [smem:$0x3FFB];
	_ =	sdelay $0x3  }
0x92: {  	_ =	strace s18  }
0x93: {  	s3 =	sld [smem:$0x3FFC];
	_ =	sdelay $0x3  }
0x94: {  	_ =	strace s3  }
0x95: {  	s3 =	sld [smem:$0x3FFD];
	_ =	sdelay $0x3  }
0x96: {  	_ =	strace s3  }
0x97: {  	_ =	strace $0x8FFFFFFF  }
0x98: {  	s19 =	sld [smem:$0x3FDB];
	_ =	sdelay $0x1  }
0x99: {  	s4 =	simm.s32 $_scs_section_size  }
0x9a: {  	s5 =	simm.s32 $_size__tile_overlayer_lowered;
	s6 =	simm.s32 $_tile_overlayer_lowered  }
0x9b: {  	s22 =	simm.s32 $0x1BFF;
	s21 =	sshll.u32 s6, $0x1;
	s3 =	sadd.s32 s4, s19  }
0x9c: {  	s7 =	simm.s32 $0x0;
	s20 =	sshll.u32 s5, $0x1;
	s5 =	sadd.s32 s21, s3  }
0x9d: {  	[timem:s7], [sflag:s22] =	dma.local [hbm:s5], s20  }
0x9e: {  	_ =	swait.ge [sflag:s22], s20  }
0x9f: {  	s4 =	ssub.s32 $0x0, s20;
	[sflag:s22] =	ssyncset.done $0x0  }
0xa0: {  	[sflag:s22] =	ssyncadd.s32 s4;
	_ =	sdelay $0x1  }
0xa1: {  	s23 =	simm.s32 $0x1B8B  }
0xa2: {  	_ =	swait.ge [sflag:s23], $0x1  }
0xa3: {  	[sflag:s23] =	ssyncset.done $0x0  }
0xa4: {  	s25 =	simm.s32 $0x1B8E;
	s24 =	sld [smem:$0x3FFE];
	[sflag:s23] =	ssyncadd.s32 $0xFFFFFFFF  }
0xa5: {  	s26 =	simm.s32 $execute0_lowered;
	[smem:$0x3FD2] =	sst s25  }
0xa6: {  	s5 =	sshll.u32 s26, $0x1;
	_ =	strace $0x80000049;
	[dreg:$0x1] =	wrdreg $0xFFFFFFFF  }
0xa7: {  	s28 =	simm.s32 $_size_execute0_lowered;
	s3 =	sadd.s32 s3, s5;
	[dreg:$0x0] =	wrdreg $0x0  }
0xa8: {  	s5 =	sshll.u32 s28, $0x1;
	[dreg:$0x2] =	wrdreg s3  }
0xa9: {  	[dreg:$0x3] =	wrdreg s5  }
0xaa: {  	[dreg:$0x4] =	wrdreg $0xC0  }
0xab: {  	_ =	task [dreg:s7], $0x5FFFF  }
0xac: {  	[dreg:$0x1] =	wrdreg $0xFFFFFFFF  }
0xad: {  	[dreg:$0x0] =	wrdreg $0x60  }
0xae: {  	[dreg:$0x2] =	wrdreg s2  }
0xaf: {  	[dreg:$0x3] =	wrdreg s24  }
0xb0: {  	[dreg:$0x4] =	wrdreg $0x9  }
0xb1: {  	_ =	task.clear_ibuf [dreg:s7], $0x5FFFF;
	_ =	strace $0x90000049  }
0xb2: {  	s29 =	simm.s32 $0x9;
	_ =	strace $0x8000004B  }
0xb3: {  	_ =	swait.ge [sflag:s29], $0x1  }
0xb4: {  	[sflag:s29] =	ssyncadd.s32 $0xFFFFFFFF  }
0xb5: {  	_ =	strace $0x9000004B  }
0xb6: {  	_ =	sfence  }
0xb7: {  	s30 =	sld [smem:$0x0];
	_ =	sdelay $0x2  }
0xb8: {  	s31 =	sshll.u32 s1, $0xD;
	s1 =	sshrl.u32 s1, $0x2  }
0xb9: {  	s3 =	sand.u32 $0x4000, s31;
	s1 =	sadd.s32 s1, s30  }
0xba: {  	s0 =	sor.u32 s3, s0;
	s1 =	sshll.u32 s1, $0x11  }
0xbb: {  	s0 =	sor.u32 s1, s0  }
0xbc: {  	s0 =	sadd.s32 $0x8F2B, s0  }
0xbd: {  	[sflag:s0] =	ssyncadd.remote.s32 $0x1  }
0xbe: {  	_ =	sfence.sel $0xFFFF  }
0xbf: {  	[dreg:$0x0] =	wrdreg $0xFFFFFFFF;
	(pc) =	sbr.abs _section_cstart, $3  }
0xc0: {  	[dreg:$0x1] =	wrdreg $0xFFFFFFFF  }
0xc1: {  	_ =	task.clear_ibuf [dreg:s7], $0x2FFFF;
	_ =	strace $0x9FFFFFFF  }
0xc2: {  	(tm) =	ssettm $0x7FFFFFFF  }
0xc3: {  	_ =	shalt  }
tec
execute0_lowered:
.L_overlay_start_1:
0x0: {  	(tag) =	ssettag $0x1  }
0x1: {  	s1 =	srdreg.scid;
	s2 =	rddreg [dreg:$0x0]  }
0x2: {  	s0 =	stileid.u32;
	s4 =	rddreg [dreg:$0x1];
	s3 =	simm.s32 $0x0  }
0x3: {  	s12 =	simm.s32 $0x1;
	s13 =	simm.s32 $0x6800;
	s14 =	simm.s32 $0x2  }
0x4: {  	s15 =	simm.s32 $0x3;
	s16 =	simm.s32 $0x0;
	s6 =	sand.u32 $0x1, s1  }
0x5: {  	s29 =	sshll.u32 s0, $0x1;
	s1 =	rddreg [dreg:$0x2];
	s30 =	smul.u32 $0x50000, s0  }
0x6: {  	[smem:$0x7FF] =	sst s3;
	s5 =	sor.u32 s6, s29;
	s11 =	smul.u32 $0x28000, s6  }
0x7: {  	s10 =	sadd.s32 $0xDE00, s4;
	s8 =	ssub.s32 $0x2, s6;
	s7 =	smul.u32 $0x2800, s5  }
0x8: {  	_ =	strace $0x8000004A;
	s9 =	sshrl.u32 s8, $0x1;
	s5 =	smul.u32 $0x28000, s5  }
0x9: {  	s31 =	sadd.s32 s30, s10;
	s8 =	ssub.s32 s8, s9;
	s9 =	simm.s32 $0x4  }
0xa: {  	s7 =	sshrl.u32 s7, $0x3;
	s5 =	sadd.s32 s10, s5;
	s6 =	smax.u32 s8, $0x1  }
0xb: {  	s8 =	sadd.s32 s11, s31;
	s10 =	simm.s32 $0x80;
	s7 =	sadd.s32 s7, s4  }
0xc: {  	s11 =	simm.s32 $0x2800;
	s4 =	sadd.s32 $0x3E00, s7;
	s7 =	sadd.s32 $0x800, s5  }
.LBB2_1:
0xd: {  	[tilespmem:s3], [sflag:$0x4] =	stream.linear.gather [hbm4b:s4+s3], $0x2800, $0x38;
	[tilespmem:$0xA800] =	vst v63  }
0xe: {  	_ =	swait.ge [sflag:s9], $0x2800  }
0xf: {  	[sflag:s9] =	ssyncset.done $0x0  }
0x10: {  	[sflag:s9] =	ssyncadd.s32 $0xFFFFD800  }
0x11: {  	[tilespmem:s11], [sflag:$0x1] =	stream.indirect.gather [hbm4b:s2+s10], $0x80, s3, s10, $0xb8;
	[tilespmem:$0xA800] =	vst v63  }
0x12: {  	_ =	swait.ge [sflag:s12], $0x4000  }
0x13: {  	[sflag:s12] =	ssyncset.done $0x0  }
0x14: {  	[sflag:s12] =	ssyncadd.s32 $0xFFFFC000  }
0x15: {  	[hbm4b:s5+s3] =	stream.linear.scatter [tilespmem:s11], [sflag:$0x2], $0x4000, $0x38;
	[tilespmem:$0xA800] =	vst v63  }
0x16: {  	_ = 	snop  }
0x17: {  	[tilespmem:s13], [sflag:$0x1] =	stream.indirect.gather [hbm4b:s2+s10], $0x80, s10, s10, $0xb8;
	[tilespmem:$0xA800] =	vst v63  }
0x18: {  	_ =	swait.ge [sflag:s12], $0x4000  }
0x19: {  	[sflag:s12] =	ssyncset.done $0x0  }
0x1a: {  	[sflag:s12] =	ssyncadd.s32 $0xFFFFC000  }
0x1b: {  	[hbm4b:s7+s3] =	stream.linear.scatter [tilespmem:s13], [sflag:$0x3], $0x4000, $0x38;
	[tilespmem:$0xA800] =	vst v63  }
0x1c: {  	_ =	swait.ge [sflag:s14], $0x4000  }
0x1d: {  	[sflag:s14] =	ssyncset.done $0x0  }
0x1e: {  	s17 =	simm.s32 $0x100;
	[sflag:s14] =	ssyncadd.s32 $0xFFFFC000  }
0x1f: {  	[tilespmem:s11], [sflag:$0x1] =	stream.indirect.gather [hbm4b:s2+s10], $0x80, s17, s10, $0xb8;
	[tilespmem:$0xA800] =	vst v63  }
0x20: {  	_ =	swait.ge [sflag:s12], $0x4000  }
0x21: {  	s18 =	sadd.s32 $0x0, s8;
	[sflag:s12] =	ssyncset.done $0x0  }
0x22: {  	s30 =	sadd.s32 $0x1000, s18;
	[sflag:s12] =	ssyncadd.s32 $0xFFFFC000  }
0x23: {  	[hbm4b:s30+s3] =	stream.linear.scatter [tilespmem:s11], [sflag:$0x2], $0x4000, $0x38;
	[tilespmem:$0xA800] =	vst v63  }
0x24: {  	_ =	swait.ge [sflag:s15], $0x4000  }
0x25: {  	[sflag:s15] =	ssyncset.done $0x0  }
0x26: {  	s31 =	simm.s32 $0x180;
	[sflag:s15] =	ssyncadd.s32 $0xFFFFC000  }
0x27: {  	[tilespmem:s13], [sflag:$0x1] =	stream.indirect.gather [hbm4b:s2+s10], $0x80, s31, s10, $0xb8;
	[tilespmem:$0xA800] =	vst v63  }
0x28: {  	_ =	swait.ge [sflag:s12], $0x4000  }
0x29: {  	s19 =	sadd.s32 $0x1800, s18;
	[sflag:s12] =	ssyncset.done $0x0  }
0x2a: {  	s18 =	simm.s32 $0x200;
	s17 =	simm.s32 $0x1000;
	[sflag:s12] =	ssyncadd.s32 $0xFFFFC000  }
.LBB2_2:
0x2b: {  	[hbm4b:s19+s3] =	stream.linear.scatter [tilespmem:s13], [sflag:$0x3], $0x4000, $0x38;
	[tilespmem:$0xA800] =	vst v63  }
0x2c: {  	s19 =	smov.u32 s17  }
0x2d: {  	p0 =	sne.s32 s17, $0x26000;
	s17 =	sadd.s32 $0x1000, s17;
	_ =	swait.ge [sflag:s14], $0x4000  }
0x2e: {  	[sflag:s14] =	ssyncset.done $0x0  }
0x2f: {  	[sflag:s14] =	ssyncadd.s32 $0xFFFFC000  }
0x30: {  	[tilespmem:s11], [sflag:$0x1] =	stream.indirect.gather [hbm4b:s2+s10], $0x80, s18, s10, $0xb8;
	[tilespmem:$0xA800] =	vst v63  }
0x31: {  	_ =	swait.ge [sflag:s12], $0x4000  }
0x32: {  	s19 =	sadd.s32 s19, s8;
	[sflag:s12] =	ssyncset.done $0x0  }
0x33: {  	s20 =	sadd.s32 $0x1000, s19;
	[sflag:s12] =	ssyncadd.s32 $0xFFFFC000  }
0x34: {  	[hbm4b:s20+s3] =	stream.linear.scatter [tilespmem:s11], [sflag:$0x2], $0x4000, $0x38;
	[tilespmem:$0xA800] =	vst v63  }
0x35: {  	_ =	swait.ge [sflag:s15], $0x4000  }
0x36: {  	[sflag:s15] =	ssyncset.done $0x0  }
.Ltmp0:
0x37: {  	s20 =	sadd.s32 $0x80, s18;
	[sflag:s15] =	ssyncadd.s32 $0xFFFFC000;
	(pc) =	sbr.rel @p0 .LBB2_2-.Ltmp0, $4  }
0x38: {  	[tilespmem:s13], [sflag:$0x1] =	stream.indirect.gather [hbm4b:s2+s10], $0x80, s20, s10, $0xb8;
	[tilespmem:$0xA800] =	vst v63  }
0x39: {  	_ =	swait.ge [sflag:s12], $0x4000  }
0x3a: {  	[sflag:s12] =	ssyncset.done $0x0  }
0x3b: {  	s19 =	sadd.s32 $0x1800, s19;
	s18 =	sadd.s32 $0x100, s18;
	[sflag:s12] =	ssyncadd.s32 $0xFFFFC000  }
0x3c: {  	[hbm4b:s19+s3] =	stream.linear.scatter [tilespmem:s13], [sflag:$0x3], $0x4000, $0x38;
	[tilespmem:$0xA800] =	vst v63  }
0x3d: {  	s16 =	sadd.s32 $0x1, s16  }
0x3e: {  	_ =	swait.ge [sflag:s14], $0x4000;
	p0 =	sne.s32 s16, s6  }
.Ltmp1:
0x3f: {  	[sflag:s14] =	ssyncset.done $0x0;
	(pc) =	sbr.rel @p0 .LBB2_1-.Ltmp1, $4  }
0x40: {  	[sflag:s14] =	ssyncadd.s32 $0xFFFFC000  }
0x41: {  	_ =	swait.ge [sflag:s15], $0x4000  }
0x42: {  	[sflag:s15] =	ssyncset.done $0x0  }
0x43: {  	[sflag:s15] =	ssyncadd.s32 $0xFFFFC000  }
0x44: {  	_ =	sfence.sel $0x180000  }
0x45: {  	[bflag:$0x0] =	sbarrier.arrive $0xFFFF  }
0x46: {  	p0 =	sne.s32 s0, $0x0;
	_ =	strace $0x9000004A  }
0x47: {  	s0 =	sadd.s32 @!p0 $0x100000, s1;
	[bflag:$0x2] =	sbarrier.arrive $0xFFFF  }
0x48: {  	[sflag:s0] =	ssyncadd.tile.s32 @!p0 $0x1;
	_ =	shalt  }
.Lfunc_end2:
_tile_overlayer_lowered:
.L_overlay_start_2:
0x49: {  	(tag) =	ssettag $0x2  }
0x4a: {  	s0 =	rddreg [dreg:$0x0];
	s2 =	stileid.u32  }
0x4b: {  	s1 =	rddreg [dreg:$0x1];
	p0 =	sne.s32 s2, $0x0  }
0x4c: {  	s3 =	rddreg [dreg:$0x2];
	[bflag:$0x3] =	sbarrier.arrive $0xFFFF;
	s2 =	simm.s32 @!p0 $0x1C04  }
0x4d: {  	[timem:s3], [sflag:s2] =	dma.local @!p0 [hbm:s0], s1  }
0x4e: {  	s0 =	simm.s32 @!p0 $0x4  }
0x4f: {  	_ =	swait.ge @!p0 [sflag:s0], s1  }
0x50: {  	s1 =	ssub.s32 @!p0 $0x0, s1;
	[sflag:s0] =	ssyncset.done @!p0 $0x0  }
0x51: {  	[sflag:s0] =	ssyncadd.s32 @!p0 s1  }
0x52: {  	[bflag:$0x3] =	sbarrier.arrive $0xFFFF  }
0x53: {  	_ =	shalt  }

</sc_bundles>
